<compile_context>
chip_gen: v7x
topology: tpu7x:2x2x1
jax: 0.10.2.dev20260603
libtpu: 0.0.44.dev20260713+nightly
codegen_flags: <defaults>
</compile_context>

<pallas_src>
import functools

import jax
import jax.numpy as jnp
from jax import lax
from jax.experimental import pallas as pl
from jax.experimental.pallas import tpu as pltpu
from jax.experimental.pallas import tpu_sc as plsc


def _sc_gather_t(user_id, item_id, category, wuT, wiT, wcT):
    info = plsc.get_sparse_core_info()
    NC, NS = info.num_cores, info.num_subcores
    NW = NC * NS
    B = user_id.shape[0]
    DU, VU = wuT.shape
    DC, VC = wcT.shape
    assert DU == 2 * NW and DC == NW
    UNROLL = 8
    n_iter = B // (16 * UNROLL)
    mesh = plsc.VectorSubcoreMesh(core_axis_name="c", subcore_axis_name="s")

    @functools.partial(
        pl.kernel,
        mesh=mesh,
        compiler_params=pltpu.CompilerParams(needs_layout_passes=False),
        out_type=(
            jax.ShapeDtypeStruct((DU, B), jnp.float32),
            jax.ShapeDtypeStruct((DU, B), jnp.float32),
            jax.ShapeDtypeStruct((DC, B), jnp.float32),
        ),
        scratch_types=[
            pltpu.VMEM((B,), jnp.int32),
            pltpu.VMEM((B,), jnp.int32),
            pltpu.VMEM((B,), jnp.int32),
            pltpu.VMEM((VU,), jnp.float32),
            pltpu.VMEM((VC,), jnp.float32),
            pltpu.VMEM((B,), jnp.float32),
            pltpu.VMEM((B,), jnp.float32),
            pltpu.SemaphoreType.DMA,
            pltpu.SemaphoreType.DMA,
            pltpu.SemaphoreType.DMA,
            pltpu.SemaphoreType.DMA,
        ],
    )
    def k(uid_h, iid_h, cid_h, wu_h, wi_h, wc_h, eu_h, ei_h, ec_h,
          uidx, iidx, cidx, rowbuf, catbuf, outA, outB,
          sem_row, sem_outA, sem_outB, sem_pre):
        w = lax.axis_index("s") * NC + lax.axis_index("c")
        tasks = [(wu_h, w, uidx, eu_h), (wu_h, w + NW, uidx, eu_h),
                 (wi_h, w, iidx, ei_h), (wi_h, w + NW, iidx, ei_h)]
        outs = [outA, outB]
        out_sems = [sem_outA, sem_outB]

        row_copy = pltpu.async_copy(wu_h.at[w], rowbuf, sem_row)
        pre = [pltpu.async_copy(uid_h, uidx, sem_pre),
               pltpu.async_copy(iid_h, iidx, sem_pre),
               pltpu.async_copy(cid_h, cidx, sem_pre),
               pltpu.async_copy(wc_h.at[w], catbuf, sem_pre)]
        for c in pre:
            c.wait()

        def gather(idxbuf, buf, ob):
            def body(i, carry):
                for u in range(UNROLL):
                    off = (i * UNROLL + u) * 16
                    iv = idxbuf[pl.ds(off, 16)]
                    ob[pl.ds(off, 16)] = plsc.load_gather(buf, [iv])
                return carry

            lax.fori_loop(0, n_iter, body, 0)

        gather(cidx, catbuf, outB)
        out_copies = {-1: pltpu.async_copy(outB, ec_h.at[w], sem_outB)}
        for t in range(4):
            row_copy.wait()
            ob = outs[t % 2]
            if t - 2 in out_copies:
                out_copies.pop(t - 2).wait()
            gather(tasks[t][2], rowbuf, ob)
            if t < 3:
                tbl2, row2, _, _ = tasks[t + 1]
                row_copy = pltpu.async_copy(tbl2.at[row2], rowbuf, sem_row)
            out_copies[t] = pltpu.async_copy(
                ob, tasks[t][3].at[tasks[t][1]], out_sems[t % 2])
        out_copies.pop(2).wait()
        out_copies.pop(3).wait()

    return k(user_id, item_id, category, wuT, wiT, wcT)


def _tc_project(base, euT, eiT, ecT, W_proj, b_proj):
    B, DB = base.shape
    DU = euT.shape[0]
    DI = eiT.shape[0]
    DC = ecT.shape[0]
    N = W_proj.shape[1]
    K = W_proj.shape[0]
    BLK = 2048
    grid = (B // BLK,)
    dn_t = (((0,), (0,)), ((), ()))

    def body(base_ref, eu_ref, ei_ref, ec_ref, wp_ref, b_ref, out_ref):
        acc = jnp.dot(base_ref[...], wp_ref[0:DB, :],
                      preferred_element_type=jnp.float32)
        acc += lax.dot_general(eu_ref[...], wp_ref[DB:DB + DU, :], dn_t,
                               preferred_element_type=jnp.float32)
        acc += lax.dot_general(ei_ref[...], wp_ref[DB + DU:DB + DU + DI, :],
                               dn_t, preferred_element_type=jnp.float32)
        acc += lax.dot_general(ec_ref[...], wp_ref[DB + DU + DI:K, :], dn_t,
                               preferred_element_type=jnp.float32)
        out_ref[...] = acc + b_ref[...]

    return pl.pallas_call(
        body,
        grid=grid,
        in_specs=[
            pl.BlockSpec((BLK, DB), lambda i: (i, 0)),
            pl.BlockSpec((DU, BLK), lambda i: (0, i)),
            pl.BlockSpec((DI, BLK), lambda i: (0, i)),
            pl.BlockSpec((DC, BLK), lambda i: (0, i)),
            pl.BlockSpec((K, N), lambda i: (0, 0)),
            pl.BlockSpec((1, N), lambda i: (0, 0)),
        ],
        out_specs=pl.BlockSpec((BLK, N), lambda i: (i, 0)),
        out_shape=jax.ShapeDtypeStruct((B, N), jnp.float32),
    )(base, euT, eiT, ecT, W_proj, b_proj.reshape(1, N))


def kernel(base, user_id, item_id, category, W_user, W_item, W_cat, W_proj, b_proj):
    user_id = user_id.astype(jnp.int32)
    item_id = item_id.astype(jnp.int32)
    category = category.astype(jnp.int32)
    euT, eiT, ecT = _sc_gather_t(user_id, item_id, category,
                                 W_user.T, W_item.T, W_cat.T)
    return _tc_project(base, euT, eiT, ecT, W_proj, b_proj)

# --- scband reference (transcript-rebuilt; emitter-appended) ---
"""Pipeline reference for scband-generic-joint-embedding-57440892617147 (READ-ONLY COPY).

The authoritative reference and input builder live on the scoring server;
editing this copy changes nothing except your own understanding.
"""

import jax, jax.numpy as jnp
import numpy as np


def setup_inputs(seed: int = 0) -> dict:
    key = jax.random.key(seed)
    ks = jax.random.split(key, 10)
    B = 4096
    base_dim = 128
    out_dim = 256
    base = jax.random.normal(ks[0], (B, base_dim), dtype=jnp.float32)
    user_id = jax.random.randint(ks[1], (B,), 0, 100000, dtype=jnp.int64)
    item_id = jax.random.randint(ks[2], (B,), 0, 100000, dtype=jnp.int64)
    category = jax.random.randint(ks[3], (B,), 0, 1000, dtype=jnp.int64)
    # learned parameters per embedding_specs
    W_user = jax.random.normal(ks[4], (100000, 64), dtype=jnp.float32) * 0.02
    W_item = jax.random.normal(ks[5], (100000, 64), dtype=jnp.float32) * 0.02
    W_cat = jax.random.normal(ks[6], (1000, 32), dtype=jnp.float32) * 0.02
    concat_dim = base_dim + 64 + 64 + 32  # 288
    W_proj = jax.random.normal(ks[7], (concat_dim, out_dim), dtype=jnp.float32) * (1.0 / np.sqrt(concat_dim))
    b_proj = jnp.zeros((out_dim,), dtype=jnp.float32)
    return {
        "base": base,
        "user_id": user_id,
        "item_id": item_id,
        "category": category,
        "W_user": W_user,
        "W_item": W_item,
        "W_cat": W_cat,
        "W_proj": W_proj,
        "b_proj": b_proj,
    }


def reference(base, user_id, item_id, category, W_user, W_item, W_cat, W_proj, b_proj):
    # Joint embedding: gather each categorical embedding, concat with base
    # features, then project to out_dim.
    e_user = jnp.take(W_user, user_id, axis=0)      # [B, 64]
    e_item = jnp.take(W_item, item_id, axis=0)      # [B, 64]
    e_cat = jnp.take(W_cat, category, axis=0)       # [B, 32]
    joint = jnp.concatenate([base, e_user, e_item, e_cat], axis=-1)  # [B, 288]
    out = joint @ W_proj + b_proj                   # [B, 256]
    return out

if __name__ == "__main__":
    import jax
    _d = setup_inputs()
    print(jax.jit(kernel)(*tuple(_d.values())))

</pallas_src>

<mosaic_0001>
#map = affine_map<(d0, d1) -> (0)>
#map1 = affine_map<(d0, d1) -> (0, 0)>
module attributes {stable_mosaic.version = 14 : i64} {
  func.func @k(%arg0: i32, %arg1: i32, %arg2: memref<4096xi32, #tpu.memory_space<hbm>>, %arg3: memref<4096xi32, #tpu.memory_space<hbm>>, %arg4: memref<4096xi32, #tpu.memory_space<hbm>>, %arg5: memref<64x100000xf32, #tpu.memory_space<hbm>>, %arg6: memref<64x100000xf32, #tpu.memory_space<hbm>>, %arg7: memref<32x1000xf32, #tpu.memory_space<hbm>>, %arg8: memref<64x4096xf32, #tpu.memory_space<hbm>>, %arg9: memref<64x4096xf32, #tpu.memory_space<hbm>>, %arg10: memref<32x4096xf32, #tpu.memory_space<hbm>>, %arg11: memref<4096xi32, #tpu.memory_space<vmem>>, %arg12: memref<4096xi32, #tpu.memory_space<vmem>>, %arg13: memref<4096xi32, #tpu.memory_space<vmem>>, %arg14: memref<100000xf32, #tpu.memory_space<vmem>>, %arg15: memref<1000xf32, #tpu.memory_space<vmem>>, %arg16: memref<4096xf32, #tpu.memory_space<vmem>>, %arg17: memref<4096xf32, #tpu.memory_space<vmem>>, %arg18: memref<!tpu.dma_semaphore, #tpu.memory_space<semaphore_mem>>, %arg19: memref<!tpu.dma_semaphore, #tpu.memory_space<semaphore_mem>>, %arg20: memref<!tpu.dma_semaphore, #tpu.memory_space<semaphore_mem>>, %arg21: memref<!tpu.dma_semaphore, #tpu.memory_space<semaphore_mem>>) attributes {dimension_semantics = [#tpu.dimension_semantics<core_parallel>, #tpu.dimension_semantics<subcore_parallel>], iteration_bounds = array<i64: 2, 16>, scalar_prefetch = 0 : i64, scratch_operands = 11 : i64, tpu.core_type = #tpu.core_type<sc_vector_subcore>, window_params = [{transform_indices = #map}, {transform_indices = #map}, {transform_indices = #map}, {transform_indices = #map1}, {transform_indices = #map1}, {transform_indices = #map1}, {transform_indices = #map1}, {transform_indices = #map1}, {transform_indices = #map1}]} {
    %mul3A = arith.constant 2 : i32
    %mul3A_0 = arith.muli %arg1, %mul3A : i32
    %add3A = arith.addi %mul3A_0, %arg0 : i32
    %add3A_1 = arith.constant 32 : i32
    %add3A_2 = arith.addi %add3A, %add3A_1 : i32
    %add3A_3 = arith.constant 32 : i32
    %add3A_4 = arith.addi %add3A, %add3A_3 : i32
    %dma_start3A = arith.constant 0 : i32
    %dma_start3A_5 = tpu.memref_slice %arg5[%add3A, %dma_start3A] : memref<64x100000xf32, #tpu.memory_space<hbm>> -> memref<1x100000xf32, #tpu.memory_space<hbm>>
    %dma_start3A_6 = tpu.memref_squeeze %dma_start3A_5 : memref<1x100000xf32, #tpu.memory_space<hbm>> -> memref<100000xf32, #tpu.memory_space<hbm>>
    %dma_start3A_7 = arith.constant 0 : i32
    %dma_start3A_8 = tpu.memref_slice %arg5[%add3A, %dma_start3A_7] : memref<64x100000xf32, #tpu.memory_space<hbm>> -> memref<1x100000xf32, #tpu.memory_space<hbm>>
    %dma_start3A_9 = tpu.memref_squeeze %dma_start3A_8 : memref<1x100000xf32, #tpu.memory_space<hbm>> -> memref<100000xf32, #tpu.memory_space<hbm>>
    tpu.enqueue_dma source(%dma_start3A_9 : memref<100000xf32, #tpu.memory_space<hbm>>) target(%arg14 : memref<100000xf32, #tpu.memory_space<vmem>>) target_semaphore(%arg18 : memref<!tpu.dma_semaphore, #tpu.memory_space<semaphore_mem>>)
    tpu.enqueue_dma source(%arg2 : memref<4096xi32, #tpu.memory_space<hbm>>) target(%arg11 : memref<4096xi32, #tpu.memory_space<vmem>>) target_semaphore(%arg21 : memref<!tpu.dma_semaphore, #tpu.memory_space<semaphore_mem>>)
    tpu.enqueue_dma source(%arg3 : memref<4096xi32, #tpu.memory_space<hbm>>) target(%arg12 : memref<4096xi32, #tpu.memory_space<vmem>>) target_semaphore(%arg21 : memref<!tpu.dma_semaphore, #tpu.memory_space<semaphore_mem>>)
    tpu.enqueue_dma source(%arg4 : memref<4096xi32, #tpu.memory_space<hbm>>) target(%arg13 : memref<4096xi32, #tpu.memory_space<vmem>>) target_semaphore(%arg21 : memref<!tpu.dma_semaphore, #tpu.memory_space<semaphore_mem>>)
    %dma_start3A_10 = arith.constant 0 : i32
    %dma_start3A_11 = tpu.memref_slice %arg7[%add3A, %dma_start3A_10] : memref<32x1000xf32, #tpu.memory_space<hbm>> -> memref<1x1000xf32, #tpu.memory_space<hbm>>
    %dma_start3A_12 = tpu.memref_squeeze %dma_start3A_11 : memref<1x1000xf32, #tpu.memory_space<hbm>> -> memref<1000xf32, #tpu.memory_space<hbm>>
    %dma_start3A_13 = arith.constant 0 : i32
    %dma_start3A_14 = tpu.memref_slice %arg7[%add3A, %dma_start3A_13] : memref<32x1000xf32, #tpu.memory_space<hbm>> -> memref<1x1000xf32, #tpu.memory_space<hbm>>
    %dma_start3A_15 = tpu.memref_squeeze %dma_start3A_14 : memref<1x1000xf32, #tpu.memory_space<hbm>> -> memref<1000xf32, #tpu.memory_space<hbm>>
    tpu.enqueue_dma source(%dma_start3A_15 : memref<1000xf32, #tpu.memory_space<hbm>>) target(%arg15 : memref<1000xf32, #tpu.memory_space<vmem>>) target_semaphore(%arg21 : memref<!tpu.dma_semaphore, #tpu.memory_space<semaphore_mem>>)
    tpu.wait_dma2 semaphore(%arg21 : memref<!tpu.dma_semaphore, #tpu.memory_space<semaphore_mem>>) src(%arg2 : memref<4096xi32, #tpu.memory_space<hbm>>) dst(%arg11 : memref<4096xi32, #tpu.memory_space<vmem>>)
    tpu.wait_dma2 semaphore(%arg21 : memref<!tpu.dma_semaphore, #tpu.memory_space<semaphore_mem>>) src(%arg3 : memref<4096xi32, #tpu.memory_space<hbm>>) dst(%arg12 : memref<4096xi32, #tpu.memory_space<vmem>>)
    tpu.wait_dma2 semaphore(%arg21 : memref<!tpu.dma_semaphore, #tpu.memory_space<semaphore_mem>>) src(%arg4 : memref<4096xi32, #tpu.memory_space<hbm>>) dst(%arg13 : memref<4096xi32, #tpu.memory_space<vmem>>)
    %dma_wait3A = arith.constant 0 : i32
    %dma_wait3A_16 = tpu.memref_slice %arg7[%add3A, %dma_wait3A] : memref<32x1000xf32, #tpu.memory_space<hbm>> -> memref<1x1000xf32, #tpu.memory_space<hbm>>
    %dma_wait3A_17 = tpu.memref_squeeze %dma_wait3A_16 : memref<1x1000xf32, #tpu.memory_space<hbm>> -> memref<1000xf32, #tpu.memory_space<hbm>>
    %dma_wait3A_18 = arith.constant 0 : i32
    %dma_wait3A_19 = tpu.memref_slice %arg7[%add3A, %dma_wait3A_18] : memref<32x1000xf32, #tpu.memory_space<hbm>> -> memref<1x1000xf32, #tpu.memory_space<hbm>>
    %dma_wait3A_20 = tpu.memref_squeeze %dma_wait3A_19 : memref<1x1000xf32, #tpu.memory_space<hbm>> -> memref<1000xf32, #tpu.memory_space<hbm>>
    tpu.wait_dma2 semaphore(%arg21 : memref<!tpu.dma_semaphore, #tpu.memory_space<semaphore_mem>>) src(%dma_wait3A_20 : memref<1000xf32, #tpu.memory_space<hbm>>) dst(%arg15 : memref<1000xf32, #tpu.memory_space<vmem>>)
    %scan3A = arith.constant 0 : i32
    %scan3A_21 = arith.constant 0 : i32
    %scan3A_22 = arith.constant 32 : i32
    %scan3A_23 = arith.addi %scan3A_21, %scan3A_22 : i32
    %scan3A_24 = arith.constant 1 : i32
    scf.for %scan3A_152 = %scan3A_21 to %scan3A_23 step %scan3A_24  : i32 {
      %mul3A_153 = arith.constant 8 : i32
      %mul3A_154 = arith.muli %scan3A_152, %mul3A_153 : i32
      %add3A_155 = arith.constant 0 : i32
      %add3A_156 = arith.addi %mul3A_154, %add3A_155 : i32
      %mul3A_157 = arith.constant 16 : i32
      %mul3A_158 = arith.muli %add3A_156, %mul3A_157 : i32
      %get3A = arith.index_cast %mul3A_158 : i32 to index
      %get3A_159 = tpu.vector_load %arg13[%get3A] {strides = array<i32>} : memref<4096xi32, #tpu.memory_space<vmem>>, vector<16xi32>,
      %gather3A = tpu.vector_load_idx %arg15[%get3A_159] : memref<1000xf32, #tpu.memory_space<vmem>>[vector<16xi32>], vector<16xf32>,
      %swap3A = arith.index_cast %mul3A_158 : i32 to index
      %swap3A_160 = tpu.vector_load %arg17[%swap3A] {strides = array<i32>} : memref<4096xf32, #tpu.memory_space<vmem>>, vector<16xf32>,
      tpu.vector_store %arg17[%swap3A], %gather3A {strides = array<i32>} : memref<4096xf32, #tpu.memory_space<vmem>>, vector<16xf32>,
      %mul3A_161 = arith.constant 8 : i32
      %mul3A_162 = arith.muli %scan3A_152, %mul3A_161 : i32
      %add3A_163 = arith.constant 1 : i32
      %add3A_164 = arith.addi %mul3A_162, %add3A_163 : i32
      %mul3A_165 = arith.constant 16 : i32
      %mul3A_166 = arith.muli %add3A_164, %mul3A_165 : i32
      %get3A_167 = arith.index_cast %mul3A_166 : i32 to index
      %get3A_168 = tpu.vector_load %arg13[%get3A_167] {strides = array<i32>} : memref<4096xi32, #tpu.memory_space<vmem>>, vector<16xi32>,
      %gather3A_169 = tpu.vector_load_idx %arg15[%get3A_168] : memref<1000xf32, #tpu.memory_space<vmem>>[vector<16xi32>], vector<16xf32>,
      %swap3A_170 = arith.index_cast %mul3A_166 : i32 to index
      %swap3A_171 = tpu.vector_load %arg17[%swap3A_170] {strides = array<i32>} : memref<4096xf32, #tpu.memory_space<vmem>>, vector<16xf32>,
      tpu.vector_store %arg17[%swap3A_170], %gather3A_169 {strides = array<i32>} : memref<4096xf32, #tpu.memory_space<vmem>>, vector<16xf32>,
      %mul3A_172 = arith.constant 8 : i32
      %mul3A_173 = arith.muli %scan3A_152, %mul3A_172 : i32
      %add3A_174 = arith.constant 2 : i32
      %add3A_175 = arith.addi %mul3A_173, %add3A_174 : i32
      %mul3A_176 = arith.constant 16 : i32
      %mul3A_177 = arith.muli %add3A_175, %mul3A_176 : i32
      %get3A_178 = arith.index_cast %mul3A_177 : i32 to index
      %get3A_179 = tpu.vector_load %arg13[%get3A_178] {strides = array<i32>} : memref<4096xi32, #tpu.memory_space<vmem>>, vector<16xi32>,
      %gather3A_180 = tpu.vector_load_idx %arg15[%get3A_179] : memref<1000xf32, #tpu.memory_space<vmem>>[vector<16xi32>], vector<16xf32>,
      %swap3A_181 = arith.index_cast %mul3A_177 : i32 to index
      %swap3A_182 = tpu.vector_load %arg17[%swap3A_181] {strides = array<i32>} : memref<4096xf32, #tpu.memory_space<vmem>>, vector<16xf32>,
      tpu.vector_store %arg17[%swap3A_181], %gather3A_180 {strides = array<i32>} : memref<4096xf32, #tpu.memory_space<vmem>>, vector<16xf32>,
      %mul3A_183 = arith.constant 8 : i32
      %mul3A_184 = arith.muli %scan3A_152, %mul3A_183 : i32
      %add3A_185 = arith.constant 3 : i32
      %add3A_186 = arith.addi %mul3A_184, %add3A_185 : i32
      %mul3A_187 = arith.constant 16 : i32
      %mul3A_188 = arith.muli %add3A_186, %mul3A_187 : i32
      %get3A_189 = arith.index_cast %mul3A_188 : i32 to index
      %get3A_190 = tpu.vector_load %arg13[%get3A_189] {strides = array<i32>} : memref<4096xi32, #tpu.memory_space<vmem>>, vector<16xi32>,
      %gather3A_191 = tpu.vector_load_idx %arg15[%get3A_190] : memref<1000xf32, #tpu.memory_space<vmem>>[vector<16xi32>], vector<16xf32>,
      %swap3A_192 = arith.index_cast %mul3A_188 : i32 to index
      %swap3A_193 = tpu.vector_load %arg17[%swap3A_192] {strides = array<i32>} : memref<4096xf32, #tpu.memory_space<vmem>>, vector<16xf32>,
      tpu.vector_store %arg17[%swap3A_192], %gather3A_191 {strides = array<i32>} : memref<4096xf32, #tpu.memory_space<vmem>>, vector<16xf32>,
      %mul3A_194 = arith.constant 8 : i32
      %mul3A_195 = arith.muli %scan3A_152, %mul3A_194 : i32
      %add3A_196 = arith.constant 4 : i32
      %add3A_197 = arith.addi %mul3A_195, %add3A_196 : i32
      %mul3A_198 = arith.constant 16 : i32
      %mul3A_199 = arith.muli %add3A_197, %mul3A_198 : i32
      %get3A_200 = arith.index_cast %mul3A_199 : i32 to index
      %get3A_201 = tpu.vector_load %arg13[%get3A_200] {strides = array<i32>} : memref<4096xi32, #tpu.memory_space<vmem>>, vector<16xi32>,
      %gather3A_202 = tpu.vector_load_idx %arg15[%get3A_201] : memref<1000xf32, #tpu.memory_space<vmem>>[vector<16xi32>], vector<16xf32>,
      %swap3A_203 = arith.index_cast %mul3A_199 : i32 to index
      %swap3A_204 = tpu.vector_load %arg17[%swap3A_203] {strides = array<i32>} : memref<4096xf32, #tpu.memory_space<vmem>>, vector<16xf32>,
      tpu.vector_store %arg17[%swap3A_203], %gather3A_202 {strides = array<i32>} : memref<4096xf32, #tpu.memory_space<vmem>>, vector<16xf32>,
      %mul3A_205 = arith.constant 8 : i32
      %mul3A_206 = arith.muli %scan3A_152, %mul3A_205 : i32
      %add3A_207 = arith.constant 5 : i32
      %add3A_208 = arith.addi %mul3A_206, %add3A_207 : i32
      %mul3A_209 = arith.constant 16 : i32
      %mul3A_210 = arith.muli %add3A_208, %mul3A_209 : i32
      %get3A_211 = arith.index_cast %mul3A_210 : i32 to index
      %get3A_212 = tpu.vector_load %arg13[%get3A_211] {strides = array<i32>} : memref<4096xi32, #tpu.memory_space<vmem>>, vector<16xi32>,
      %gather3A_213 = tpu.vector_load_idx %arg15[%get3A_212] : memref<1000xf32, #tpu.memory_space<vmem>>[vector<16xi32>], vector<16xf32>,
      %swap3A_214 = arith.index_cast %mul3A_210 : i32 to index
      %swap3A_215 = tpu.vector_load %arg17[%swap3A_214] {strides = array<i32>} : memref<4096xf32, #tpu.memory_space<vmem>>, vector<16xf32>,
      tpu.vector_store %arg17[%swap3A_214], %gather3A_213 {strides = array<i32>} : memref<4096xf32, #tpu.memory_space<vmem>>, vector<16xf32>,
      %mul3A_216 = arith.constant 8 : i32
      %mul3A_217 = arith.muli %scan3A_152, %mul3A_216 : i32
      %add3A_218 = arith.constant 6 : i32
      %add3A_219 = arith.addi %mul3A_217, %add3A_218 : i32
      %mul3A_220 = arith.constant 16 : i32
      %mul3A_221 = arith.muli %add3A_219, %mul3A_220 : i32
      %get3A_222 = arith.index_cast %mul3A_221 : i32 to index
      %get3A_223 = tpu.vector_load %arg13[%get3A_222] {strides = array<i32>} : memref<4096xi32, #tpu.memory_space<vmem>>, vector<16xi32>,
      %gather3A_224 = tpu.vector_load_idx %arg15[%get3A_223] : memref<1000xf32, #tpu.memory_space<vmem>>[vector<16xi32>], vector<16xf32>,
      %swap3A_225 = arith.index_cast %mul3A_221 : i32 to index
      %swap3A_226 = tpu.vector_load %arg17[%swap3A_225] {strides = array<i32>} : memref<4096xf32, #tpu.memory_space<vmem>>, vector<16xf32>,
      tpu.vector_store %arg17[%swap3A_225], %gather3A_224 {strides = array<i32>} : memref<4096xf32, #tpu.memory_space<vmem>>, vector<16xf32>,
      %mul3A_227 = arith.constant 8 : i32
      %mul3A_228 = arith.muli %scan3A_152, %mul3A_227 : i32
      %add3A_229 = arith.constant 7 : i32
      %add3A_230 = arith.addi %mul3A_228, %add3A_229 : i32
      %mul3A_231 = arith.constant 16 : i32
      %mul3A_232 = arith.muli %add3A_230, %mul3A_231 : i32
      %get3A_233 = arith.index_cast %mul3A_232 : i32 to index
      %get3A_234 = tpu.vector_load %arg13[%get3A_233] {strides = array<i32>} : memref<4096xi32, #tpu.memory_space<vmem>>, vector<16xi32>,
      %gather3A_235 = tpu.vector_load_idx %arg15[%get3A_234] : memref<1000xf32, #tpu.memory_space<vmem>>[vector<16xi32>], vector<16xf32>,
      %swap3A_236 = arith.index_cast %mul3A_232 : i32 to index
      %swap3A_237 = tpu.vector_load %arg17[%swap3A_236] {strides = array<i32>} : memref<4096xf32, #tpu.memory_space<vmem>>, vector<16xf32>,
      tpu.vector_store %arg17[%swap3A_236], %gather3A_235 {strides = array<i32>} : memref<4096xf32, #tpu.memory_space<vmem>>, vector<16xf32>,
    }
    %scan3A_25 = arith.constant 32 : i32
    %dma_start3A_26 = arith.constant 0 : i32
    %dma_start3A_27 = tpu.memref_slice %arg10[%add3A, %dma_start3A_26] : memref<32x4096xf32, #tpu.memory_space<hbm>> -> memref<1x4096xf32, #tpu.memory_space<hbm>>
    %dma_start3A_28 = tpu.memref_squeeze %dma_start3A_27 : memref<1x4096xf32, #tpu.memory_space<hbm>> -> memref<4096xf32, #tpu.memory_space<hbm>>
    %dma_start3A_29 = arith.constant 0 : i32
    %dma_start3A_30 = tpu.memref_slice %arg10[%add3A, %dma_start3A_29] : memref<32x4096xf32, #tpu.memory_space<hbm>> -> memref<1x4096xf32, #tpu.memory_space<hbm>>
    %dma_start3A_31 = tpu.memref_squeeze %dma_start3A_30 : memref<1x4096xf32, #tpu.memory_space<hbm>> -> memref<4096xf32, #tpu.memory_space<hbm>>
    tpu.enqueue_dma source(%arg17 : memref<4096xf32, #tpu.memory_space<vmem>>) target(%dma_start3A_31 : memref<4096xf32, #tpu.memory_space<hbm>>) target_semaphore(%arg20 : memref<!tpu.dma_semaphore, #tpu.memory_space<semaphore_mem>>)
    %dma_wait3A_32 = arith.constant 0 : i32
    %dma_wait3A_33 = tpu.memref_slice %arg5[%add3A, %dma_wait3A_32] : memref<64x100000xf32, #tpu.memory_space<hbm>> -> memref<1x100000xf32, #tpu.memory_space<hbm>>
    %dma_wait3A_34 = tpu.memref_squeeze %dma_wait3A_33 : memref<1x100000xf32, #tpu.memory_space<hbm>> -> memref<100000xf32, #tpu.memory_space<hbm>>
    %dma_wait3A_35 = arith.constant 0 : i32
    %dma_wait3A_36 = tpu.memref_slice %arg5[%add3A, %dma_wait3A_35] : memref<64x100000xf32, #tpu.memory_space<hbm>> -> memref<1x100000xf32, #tpu.memory_space<hbm>>
    %dma_wait3A_37 = tpu.memref_squeeze %dma_wait3A_36 : memref<1x100000xf32, #tpu.memory_space<hbm>> -> memref<100000xf32, #tpu.memory_space<hbm>>
    tpu.wait_dma2 semaphore(%arg18 : memref<!tpu.dma_semaphore, #tpu.memory_space<semaphore_mem>>) src(%dma_wait3A_37 : memref<100000xf32, #tpu.memory_space<hbm>>) dst(%arg14 : memref<100000xf32, #tpu.memory_space<vmem>>)
    %scan3A_38 = arith.constant 0 : i32
    %scan3A_39 = arith.constant 0 : i32
    %scan3A_40 = arith.constant 32 : i32
    %scan3A_41 = arith.addi %scan3A_39, %scan3A_40 : i32
    %scan3A_42 = arith.constant 1 : i32
    scf.for %scan3A_152 = %scan3A_39 to %scan3A_41 step %scan3A_42  : i32 {
      %mul3A_153 = arith.constant 8 : i32
      %mul3A_154 = arith.muli %scan3A_152, %mul3A_153 : i32
      %add3A_155 = arith.constant 0 : i32
      %add3A_156 = arith.addi %mul3A_154, %add3A_155 : i32
      %mul3A_157 = arith.constant 16 : i32
      %mul3A_158 = arith.muli %add3A_156, %mul3A_157 : i32
      %get3A = arith.index_cast %mul3A_158 : i32 to index
      %get3A_159 = tpu.vector_load %arg11[%get3A] {strides = array<i32>} : memref<4096xi32, #tpu.memory_space<vmem>>, vector<16xi32>,
      %gather3A = tpu.vector_load_idx %arg14[%get3A_159] : memref<100000xf32, #tpu.memory_space<vmem>>[vector<16xi32>], vector<16xf32>,
      %swap3A = arith.index_cast %mul3A_158 : i32 to index
      %swap3A_160 = tpu.vector_load %arg16[%swap3A] {strides = array<i32>} : memref<4096xf32, #tpu.memory_space<vmem>>, vector<16xf32>,
      tpu.vector_store %arg16[%swap3A], %gather3A {strides = array<i32>} : memref<4096xf32, #tpu.memory_space<vmem>>, vector<16xf32>,
      %mul3A_161 = arith.constant 8 : i32
      %mul3A_162 = arith.muli %scan3A_152, %mul3A_161 : i32
      %add3A_163 = arith.constant 1 : i32
      %add3A_164 = arith.addi %mul3A_162, %add3A_163 : i32
      %mul3A_165 = arith.constant 16 : i32
      %mul3A_166 = arith.muli %add3A_164, %mul3A_165 : i32
      %get3A_167 = arith.index_cast %mul3A_166 : i32 to index
      %get3A_168 = tpu.vector_load %arg11[%get3A_167] {strides = array<i32>} : memref<4096xi32, #tpu.memory_space<vmem>>, vector<16xi32>,
      %gather3A_169 = tpu.vector_load_idx %arg14[%get3A_168] : memref<100000xf32, #tpu.memory_space<vmem>>[vector<16xi32>], vector<16xf32>,
      %swap3A_170 = arith.index_cast %mul3A_166 : i32 to index
      %swap3A_171 = tpu.vector_load %arg16[%swap3A_170] {strides = array<i32>} : memref<4096xf32, #tpu.memory_space<vmem>>, vector<16xf32>,
      tpu.vector_store %arg16[%swap3A_170], %gather3A_169 {strides = array<i32>} : memref<4096xf32, #tpu.memory_space<vmem>>, vector<16xf32>,
      %mul3A_172 = arith.constant 8 : i32
      %mul3A_173 = arith.muli %scan3A_152, %mul3A_172 : i32
      %add3A_174 = arith.constant 2 : i32
      %add3A_175 = arith.addi %mul3A_173, %add3A_174 : i32
      %mul3A_176 = arith.constant 16 : i32
      %mul3A_177 = arith.muli %add3A_175, %mul3A_176 : i32
      %get3A_178 = arith.index_cast %mul3A_177 : i32 to index
      %get3A_179 = tpu.vector_load %arg11[%get3A_178] {strides = array<i32>} : memref<4096xi32, #tpu.memory_space<vmem>>, vector<16xi32>,
      %gather3A_180 = tpu.vector_load_idx %arg14[%get3A_179] : memref<100000xf32, #tpu.memory_space<vmem>>[vector<16xi32>], vector<16xf32>,
      %swap3A_181 = arith.index_cast %mul3A_177 : i32 to index
      %swap3A_182 = tpu.vector_load %arg16[%swap3A_181] {strides = array<i32>} : memref<4096xf32, #tpu.memory_space<vmem>>, vector<16xf32>,
      tpu.vector_store %arg16[%swap3A_181], %gather3A_180 {strides = array<i32>} : memref<4096xf32, #tpu.memory_space<vmem>>, vector<16xf32>,
      %mul3A_183 = arith.constant 8 : i32
      %mul3A_184 = arith.muli %scan3A_152, %mul3A_183 : i32
      %add3A_185 = arith.constant 3 : i32
      %add3A_186 = arith.addi %mul3A_184, %add3A_185 : i32
      %mul3A_187 = arith.constant 16 : i32
      %mul3A_188 = arith.muli %add3A_186, %mul3A_187 : i32
      %get3A_189 = arith.index_cast %mul3A_188 : i32 to index
      %get3A_190 = tpu.vector_load %arg11[%get3A_189] {strides = array<i32>} : memref<4096xi32, #tpu.memory_space<vmem>>, vector<16xi32>,
      %gather3A_191 = tpu.vector_load_idx %arg14[%get3A_190] : memref<100000xf32, #tpu.memory_space<vmem>>[vector<16xi32>], vector<16xf32>,
      %swap3A_192 = arith.index_cast %mul3A_188 : i32 to index
      %swap3A_193 = tpu.vector_load %arg16[%swap3A_192] {strides = array<i32>} : memref<4096xf32, #tpu.memory_space<vmem>>, vector<16xf32>,
      tpu.vector_store %arg16[%swap3A_192], %gather3A_191 {strides = array<i32>} : memref<4096xf32, #tpu.memory_space<vmem>>, vector<16xf32>,
      %mul3A_194 = arith.constant 8 : i32
      %mul3A_195 = arith.muli %scan3A_152, %mul3A_194 : i32
      %add3A_196 = arith.constant 4 : i32
      %add3A_197 = arith.addi %mul3A_195, %add3A_196 : i32
      %mul3A_198 = arith.constant 16 : i32
      %mul3A_199 = arith.muli %add3A_197, %mul3A_198 : i32
      %get3A_200 = arith.index_cast %mul3A_199 : i32 to index
      %get3A_201 = tpu.vector_load %arg11[%get3A_200] {strides = array<i32>} : memref<4096xi32, #tpu.memory_space<vmem>>, vector<16xi32>,
      %gather3A_202 = tpu.vector_load_idx %arg14[%get3A_201] : memref<100000xf32, #tpu.memory_space<vmem>>[vector<16xi32>], vector<16xf32>,
      %swap3A_203 = arith.index_cast %mul3A_199 : i32 to index
      %swap3A_204 = tpu.vector_load %arg16[%swap3A_203] {strides = array<i32>} : memref<4096xf32, #tpu.memory_space<vmem>>, vector<16xf32>,
      tpu.vector_store %arg16[%swap3A_203], %gather3A_202 {strides = array<i32>} : memref<4096xf32, #tpu.memory_space<vmem>>, vector<16xf32>,
      %mul3A_205 = arith.constant 8 : i32
      %mul3A_206 = arith.muli %scan3A_152, %mul3A_205 : i32
      %add3A_207 = arith.constant 5 : i32
      %add3A_208 = arith.addi %mul3A_206, %add3A_207 : i32
      %mul3A_209 = arith.constant 16 : i32
      %mul3A_210 = arith.muli %add3A_208, %mul3A_209 : i32
      %get3A_211 = arith.index_cast %mul3A_210 : i32 to index
      %get3A_212 = tpu.vector_load %arg11[%get3A_211] {strides = array<i32>} : memref<4096xi32, #tpu.memory_space<vmem>>, vector<16xi32>,
      %gather3A_213 = tpu.vector_load_idx %arg14[%get3A_212] : memref<100000xf32, #tpu.memory_space<vmem>>[vector<16xi32>], vector<16xf32>,
      %swap3A_214 = arith.index_cast %mul3A_210 : i32 to index
      %swap3A_215 = tpu.vector_load %arg16[%swap3A_214] {strides = array<i32>} : memref<4096xf32, #tpu.memory_space<vmem>>, vector<16xf32>,
      tpu.vector_store %arg16[%swap3A_214], %gather3A_213 {strides = array<i32>} : memref<4096xf32, #tpu.memory_space<vmem>>, vector<16xf32>,
      %mul3A_216 = arith.constant 8 : i32
      %mul3A_217 = arith.muli %scan3A_152, %mul3A_216 : i32
      %add3A_218 = arith.constant 6 : i32
      %add3A_219 = arith.addi %mul3A_217, %add3A_218 : i32
      %mul3A_220 = arith.constant 16 : i32
      %mul3A_221 = arith.muli %add3A_219, %mul3A_220 : i32
      %get3A_222 = arith.index_cast %mul3A_221 : i32 to index
      %get3A_223 = tpu.vector_load %arg11[%get3A_222] {strides = array<i32>} : memref<4096xi32, #tpu.memory_space<vmem>>, vector<16xi32>,
      %gather3A_224 = tpu.vector_load_idx %arg14[%get3A_223] : memref<100000xf32, #tpu.memory_space<vmem>>[vector<16xi32>], vector<16xf32>,
      %swap3A_225 = arith.index_cast %mul3A_221 : i32 to index
      %swap3A_226 = tpu.vector_load %arg16[%swap3A_225] {strides = array<i32>} : memref<4096xf32, #tpu.memory_space<vmem>>, vector<16xf32>,
      tpu.vector_store %arg16[%swap3A_225], %gather3A_224 {strides = array<i32>} : memref<4096xf32, #tpu.memory_space<vmem>>, vector<16xf32>,
      %mul3A_227 = arith.constant 8 : i32
      %mul3A_228 = arith.muli %scan3A_152, %mul3A_227 : i32
      %add3A_229 = arith.constant 7 : i32
      %add3A_230 = arith.addi %mul3A_228, %add3A_229 : i32
      %mul3A_231 = arith.constant 16 : i32
      %mul3A_232 = arith.muli %add3A_230, %mul3A_231 : i32
      %get3A_233 = arith.index_cast %mul3A_232 : i32 to index
      %get3A_234 = tpu.vector_load %arg11[%get3A_233] {strides = array<i32>} : memref<4096xi32, #tpu.memory_space<vmem>>, vector<16xi32>,
      %gather3A_235 = tpu.vector_load_idx %arg14[%get3A_234] : memref<100000xf32, #tpu.memory_space<vmem>>[vector<16xi32>], vector<16xf32>,
      %swap3A_236 = arith.index_cast %mul3A_232 : i32 to index
      %swap3A_237 = tpu.vector_load %arg16[%swap3A_236] {strides = array<i32>} : memref<4096xf32, #tpu.memory_space<vmem>>, vector<16xf32>,
      tpu.vector_store %arg16[%swap3A_236], %gather3A_235 {strides = array<i32>} : memref<4096xf32, #tpu.memory_space<vmem>>, vector<16xf32>,
    }
    %scan3A_43 = arith.constant 32 : i32
    %dma_start3A_44 = arith.constant 0 : i32
    %dma_start3A_45 = tpu.memref_slice %arg5[%add3A_2, %dma_start3A_44] : memref<64x100000xf32, #tpu.memory_space<hbm>> -> memref<1x100000xf32, #tpu.memory_space<hbm>>
    %dma_start3A_46 = tpu.memref_squeeze %dma_start3A_45 : memref<1x100000xf32, #tpu.memory_space<hbm>> -> memref<100000xf32, #tpu.memory_space<hbm>>
    %dma_start3A_47 = arith.constant 0 : i32
    %dma_start3A_48 = tpu.memref_slice %arg5[%add3A_2, %dma_start3A_47] : memref<64x100000xf32, #tpu.memory_space<hbm>> -> memref<1x100000xf32, #tpu.memory_space<hbm>>
    %dma_start3A_49 = tpu.memref_squeeze %dma_start3A_48 : memref<1x100000xf32, #tpu.memory_space<hbm>> -> memref<100000xf32, #tpu.memory_space<hbm>>
    tpu.enqueue_dma source(%dma_start3A_49 : memref<100000xf32, #tpu.memory_space<hbm>>) target(%arg14 : memref<100000xf32, #tpu.memory_space<vmem>>) target_semaphore(%arg18 : memref<!tpu.dma_semaphore, #tpu.memory_space<semaphore_mem>>)
    %dma_start3A_50 = arith.constant 0 : i32
    %dma_start3A_51 = tpu.memref_slice %arg8[%add3A, %dma_start3A_50] : memref<64x4096xf32, #tpu.memory_space<hbm>> -> memref<1x4096xf32, #tpu.memory_space<hbm>>
    %dma_start3A_52 = tpu.memref_squeeze %dma_start3A_51 : memref<1x4096xf32, #tpu.memory_space<hbm>> -> memref<4096xf32, #tpu.memory_space<hbm>>
    %dma_start3A_53 = arith.constant 0 : i32
    %dma_start3A_54 = tpu.memref_slice %arg8[%add3A, %dma_start3A_53] : memref<64x4096xf32, #tpu.memory_space<hbm>> -> memref<1x4096xf32, #tpu.memory_space<hbm>>
    %dma_start3A_55 = tpu.memref_squeeze %dma_start3A_54 : memref<1x4096xf32, #tpu.memory_space<hbm>> -> memref<4096xf32, #tpu.memory_space<hbm>>
    tpu.enqueue_dma source(%arg16 : memref<4096xf32, #tpu.memory_space<vmem>>) target(%dma_start3A_55 : memref<4096xf32, #tpu.memory_space<hbm>>) target_semaphore(%arg19 : memref<!tpu.dma_semaphore, #tpu.memory_space<semaphore_mem>>)
    %dma_wait3A_56 = arith.constant 0 : i32
    %dma_wait3A_57 = tpu.memref_slice %arg5[%add3A_2, %dma_wait3A_56] : memref<64x100000xf32, #tpu.memory_space<hbm>> -> memref<1x100000xf32, #tpu.memory_space<hbm>>
    %dma_wait3A_58 = tpu.memref_squeeze %dma_wait3A_57 : memref<1x100000xf32, #tpu.memory_space<hbm>> -> memref<100000xf32, #tpu.memory_space<hbm>>
    %dma_wait3A_59 = arith.constant 0 : i32
    %dma_wait3A_60 = tpu.memref_slice %arg5[%add3A_2, %dma_wait3A_59] : memref<64x100000xf32, #tpu.memory_space<hbm>> -> memref<1x100000xf32, #tpu.memory_space<hbm>>
    %dma_wait3A_61 = tpu.memref_squeeze %dma_wait3A_60 : memref<1x100000xf32, #tpu.memory_space<hbm>> -> memref<100000xf32, #tpu.memory_space<hbm>>
    tpu.wait_dma2 semaphore(%arg18 : memref<!tpu.dma_semaphore, #tpu.memory_space<semaphore_mem>>) src(%dma_wait3A_61 : memref<100000xf32, #tpu.memory_space<hbm>>) dst(%arg14 : memref<100000xf32, #tpu.memory_space<vmem>>)
    %dma_wait3A_62 = arith.constant 0 : i32
    %dma_wait3A_63 = tpu.memref_slice %arg10[%add3A, %dma_wait3A_62] : memref<32x4096xf32, #tpu.memory_space<hbm>> -> memref<1x4096xf32, #tpu.memory_space<hbm>>
    %dma_wait3A_64 = tpu.memref_squeeze %dma_wait3A_63 : memref<1x4096xf32, #tpu.memory_space<hbm>> -> memref<4096xf32, #tpu.memory_space<hbm>>
    %dma_wait3A_65 = arith.constant 0 : i32
    %dma_wait3A_66 = tpu.memref_slice %arg10[%add3A, %dma_wait3A_65] : memref<32x4096xf32, #tpu.memory_space<hbm>> -> memref<1x4096xf32, #tpu.memory_space<hbm>>
    %dma_wait3A_67 = tpu.memref_squeeze %dma_wait3A_66 : memref<1x4096xf32, #tpu.memory_space<hbm>> -> memref<4096xf32, #tpu.memory_space<hbm>>
    tpu.wait_dma2 semaphore(%arg20 : memref<!tpu.dma_semaphore, #tpu.memory_space<semaphore_mem>>) src(%arg17 : memref<4096xf32, #tpu.memory_space<vmem>>) dst(%dma_wait3A_67 : memref<4096xf32, #tpu.memory_space<hbm>>)
    %scan3A_68 = arith.constant 0 : i32
    %scan3A_69 = arith.constant 0 : i32
    %scan3A_70 = arith.constant 32 : i32
    %scan3A_71 = arith.addi %scan3A_69, %scan3A_70 : i32
    %scan3A_72 = arith.constant 1 : i32
    scf.for %scan3A_152 = %scan3A_69 to %scan3A_71 step %scan3A_72  : i32 {
      %mul3A_153 = arith.constant 8 : i32
      %mul3A_154 = arith.muli %scan3A_152, %mul3A_153 : i32
      %add3A_155 = arith.constant 0 : i32
      %add3A_156 = arith.addi %mul3A_154, %add3A_155 : i32
      %mul3A_157 = arith.constant 16 : i32
      %mul3A_158 = arith.muli %add3A_156, %mul3A_157 : i32
      %get3A = arith.index_cast %mul3A_158 : i32 to index
      %get3A_159 = tpu.vector_load %arg11[%get3A] {strides = array<i32>} : memref<4096xi32, #tpu.memory_space<vmem>>, vector<16xi32>,
      %gather3A = tpu.vector_load_idx %arg14[%get3A_159] : memref<100000xf32, #tpu.memory_space<vmem>>[vector<16xi32>], vector<16xf32>,
      %swap3A = arith.index_cast %mul3A_158 : i32 to index
      %swap3A_160 = tpu.vector_load %arg17[%swap3A] {strides = array<i32>} : memref<4096xf32, #tpu.memory_space<vmem>>, vector<16xf32>,
      tpu.vector_store %arg17[%swap3A], %gather3A {strides = array<i32>} : memref<4096xf32, #tpu.memory_space<vmem>>, vector<16xf32>,
      %mul3A_161 = arith.constant 8 : i32
      %mul3A_162 = arith.muli %scan3A_152, %mul3A_161 : i32
      %add3A_163 = arith.constant 1 : i32
      %add3A_164 = arith.addi %mul3A_162, %add3A_163 : i32
      %mul3A_165 = arith.constant 16 : i32
      %mul3A_166 = arith.muli %add3A_164, %mul3A_165 : i32
      %get3A_167 = arith.index_cast %mul3A_166 : i32 to index
      %get3A_168 = tpu.vector_load %arg11[%get3A_167] {strides = array<i32>} : memref<4096xi32, #tpu.memory_space<vmem>>, vector<16xi32>,
      %gather3A_169 = tpu.vector_load_idx %arg14[%get3A_168] : memref<100000xf32, #tpu.memory_space<vmem>>[vector<16xi32>], vector<16xf32>,
      %swap3A_170 = arith.index_cast %mul3A_166 : i32 to index
      %swap3A_171 = tpu.vector_load %arg17[%swap3A_170] {strides = array<i32>} : memref<4096xf32, #tpu.memory_space<vmem>>, vector<16xf32>,
      tpu.vector_store %arg17[%swap3A_170], %gather3A_169 {strides = array<i32>} : memref<4096xf32, #tpu.memory_space<vmem>>, vector<16xf32>,
      %mul3A_172 = arith.constant 8 : i32
      %mul3A_173 = arith.muli %scan3A_152, %mul3A_172 : i32
      %add3A_174 = arith.constant 2 : i32
      %add3A_175 = arith.addi %mul3A_173, %add3A_174 : i32
      %mul3A_176 = arith.constant 16 : i32
      %mul3A_177 = arith.muli %add3A_175, %mul3A_176 : i32
      %get3A_178 = arith.index_cast %mul3A_177 : i32 to index
      %get3A_179 = tpu.vector_load %arg11[%get3A_178] {strides = array<i32>} : memref<4096xi32, #tpu.memory_space<vmem>>, vector<16xi32>,
      %gather3A_180 = tpu.vector_load_idx %arg14[%get3A_179] : memref<100000xf32, #tpu.memory_space<vmem>>[vector<16xi32>], vector<16xf32>,
      %swap3A_181 = arith.index_cast %mul3A_177 : i32 to index
      %swap3A_182 = tpu.vector_load %arg17[%swap3A_181] {strides = array<i32>} : memref<4096xf32, #tpu.memory_space<vmem>>, vector<16xf32>,
      tpu.vector_store %arg17[%swap3A_181], %gather3A_180 {strides = array<i32>} : memref<4096xf32, #tpu.memory_space<vmem>>, vector<16xf32>,
      %mul3A_183 = arith.constant 8 : i32
      %mul3A_184 = arith.muli %scan3A_152, %mul3A_183 : i32
      %add3A_185 = arith.constant 3 : i32
      %add3A_186 = arith.addi %mul3A_184, %add3A_185 : i32
      %mul3A_187 = arith.constant 16 : i32
      %mul3A_188 = arith.muli %add3A_186, %mul3A_187 : i32
      %get3A_189 = arith.index_cast %mul3A_188 : i32 to index
      %get3A_190 = tpu.vector_load %arg11[%get3A_189] {strides = array<i32>} : memref<4096xi32, #tpu.memory_space<vmem>>, vector<16xi32>,
      %gather3A_191 = tpu.vector_load_idx %arg14[%get3A_190] : memref<100000xf32, #tpu.memory_space<vmem>>[vector<16xi32>], vector<16xf32>,
      %swap3A_192 = arith.index_cast %mul3A_188 : i32 to index
      %swap3A_193 = tpu.vector_load %arg17[%swap3A_192] {strides = array<i32>} : memref<4096xf32, #tpu.memory_space<vmem>>, vector<16xf32>,
      tpu.vector_store %arg17[%swap3A_192], %gather3A_191 {strides = array<i32>} : memref<4096xf32, #tpu.memory_space<vmem>>, vector<16xf32>,
      %mul3A_194 = arith.constant 8 : i32
      %mul3A_195 = arith.muli %scan3A_152, %mul3A_194 : i32
      %add3A_196 = arith.constant 4 : i32
      %add3A_197 = arith.addi %mul3A_195, %add3A_196 : i32
      %mul3A_198 = arith.constant 16 : i32
      %mul3A_199 = arith.muli %add3A_197, %mul3A_198 : i32
      %get3A_200 = arith.index_cast %mul3A_199 : i32 to index
      %get3A_201 = tpu.vector_load %arg11[%get3A_200] {strides = array<i32>} : memref<4096xi32, #tpu.memory_space<vmem>>, vector<16xi32>,
      %gather3A_202 = tpu.vector_load_idx %arg14[%get3A_201] : memref<100000xf32, #tpu.memory_space<vmem>>[vector<16xi32>], vector<16xf32>,
      %swap3A_203 = arith.index_cast %mul3A_199 : i32 to index
      %swap3A_204 = tpu.vector_load %arg17[%swap3A_203] {strides = array<i32>} : memref<4096xf32, #tpu.memory_space<vmem>>, vector<16xf32>,
      tpu.vector_store %arg17[%swap3A_203], %gather3A_202 {strides = array<i32>} : memref<4096xf32, #tpu.memory_space<vmem>>, vector<16xf32>,
      %mul3A_205 = arith.constant 8 : i32
      %mul3A_206 = arith.muli %scan3A_152, %mul3A_205 : i32
      %add3A_207 = arith.constant 5 : i32
      %add3A_208 = arith.addi %mul3A_206, %add3A_207 : i32
      %mul3A_209 = arith.constant 16 : i32
      %mul3A_210 = arith.muli %add3A_208, %mul3A_209 : i32
      %get3A_211 = arith.index_cast %mul3A_210 : i32 to index
      %get3A_212 = tpu.vector_load %arg11[%get3A_211] {strides = array<i32>} : memref<4096xi32, #tpu.memory_space<vmem>>, vector<16xi32>,
      %gather3A_213 = tpu.vector_load_idx %arg14[%get3A_212] : memref<100000xf32, #tpu.memory_space<vmem>>[vector<16xi32>], vector<16xf32>,
      %swap3A_214 = arith.index_cast %mul3A_210 : i32 to index
      %swap3A_215 = tpu.vector_load %arg17[%swap3A_214] {strides = array<i32>} : memref<4096xf32, #tpu.memory_space<vmem>>, vector<16xf32>,
      tpu.vector_store %arg17[%swap3A_214], %gather3A_213 {strides = array<i32>} : memref<4096xf32, #tpu.memory_space<vmem>>, vector<16xf32>,
      %mul3A_216 = arith.constant 8 : i32
      %mul3A_217 = arith.muli %scan3A_152, %mul3A_216 : i32
      %add3A_218 = arith.constant 6 : i32
      %add3A_219 = arith.addi %mul3A_217, %add3A_218 : i32
      %mul3A_220 = arith.constant 16 : i32
      %mul3A_221 = arith.muli %add3A_219, %mul3A_220 : i32
      %get3A_222 = arith.index_cast %mul3A_221 : i32 to index
      %get3A_223 = tpu.vector_load %arg11[%get3A_222] {strides = array<i32>} : memref<4096xi32, #tpu.memory_space<vmem>>, vector<16xi32>,
      %gather3A_224 = tpu.vector_load_idx %arg14[%get3A_223] : memref<100000xf32, #tpu.memory_space<vmem>>[vector<16xi32>], vector<16xf32>,
      %swap3A_225 = arith.index_cast %mul3A_221 : i32 to index
      %swap3A_226 = tpu.vector_load %arg17[%swap3A_225] {strides = array<i32>} : memref<4096xf32, #tpu.memory_space<vmem>>, vector<16xf32>,
      tpu.vector_store %arg17[%swap3A_225], %gather3A_224 {strides = array<i32>} : memref<4096xf32, #tpu.memory_space<vmem>>, vector<16xf32>,
      %mul3A_227 = arith.constant 8 : i32
      %mul3A_228 = arith.muli %scan3A_152, %mul3A_227 : i32
      %add3A_229 = arith.constant 7 : i32
      %add3A_230 = arith.addi %mul3A_228, %add3A_229 : i32
      %mul3A_231 = arith.constant 16 : i32
      %mul3A_232 = arith.muli %add3A_230, %mul3A_231 : i32
      %get3A_233 = arith.index_cast %mul3A_232 : i32 to index
      %get3A_234 = tpu.vector_load %arg11[%get3A_233] {strides = array<i32>} : memref<4096xi32, #tpu.memory_space<vmem>>, vector<16xi32>,
      %gather3A_235 = tpu.vector_load_idx %arg14[%get3A_234] : memref<100000xf32, #tpu.memory_space<vmem>>[vector<16xi32>], vector<16xf32>,
      %swap3A_236 = arith.index_cast %mul3A_232 : i32 to index
      %swap3A_237 = tpu.vector_load %arg17[%swap3A_236] {strides = array<i32>} : memref<4096xf32, #tpu.memory_space<vmem>>, vector<16xf32>,
      tpu.vector_store %arg17[%swap3A_236], %gather3A_235 {strides = array<i32>} : memref<4096xf32, #tpu.memory_space<vmem>>, vector<16xf32>,
    }
    %scan3A_73 = arith.constant 32 : i32
    %dma_start3A_74 = arith.constant 0 : i32
    %dma_start3A_75 = tpu.memref_slice %arg6[%add3A, %dma_start3A_74] : memref<64x100000xf32, #tpu.memory_space<hbm>> -> memref<1x100000xf32, #tpu.memory_space<hbm>>
    %dma_start3A_76 = tpu.memref_squeeze %dma_start3A_75 : memref<1x100000xf32, #tpu.memory_space<hbm>> -> memref<100000xf32, #tpu.memory_space<hbm>>
    %dma_start3A_77 = arith.constant 0 : i32
    %dma_start3A_78 = tpu.memref_slice %arg6[%add3A, %dma_start3A_77] : memref<64x100000xf32, #tpu.memory_space<hbm>> -> memref<1x100000xf32, #tpu.memory_space<hbm>>
    %dma_start3A_79 = tpu.memref_squeeze %dma_start3A_78 : memref<1x100000xf32, #tpu.memory_space<hbm>> -> memref<100000xf32, #tpu.memory_space<hbm>>
    tpu.enqueue_dma source(%dma_start3A_79 : memref<100000xf32, #tpu.memory_space<hbm>>) target(%arg14 : memref<100000xf32, #tpu.memory_space<vmem>>) target_semaphore(%arg18 : memref<!tpu.dma_semaphore, #tpu.memory_space<semaphore_mem>>)
    %dma_start3A_80 = arith.constant 0 : i32
    %dma_start3A_81 = tpu.memref_slice %arg8[%add3A_2, %dma_start3A_80] : memref<64x4096xf32, #tpu.memory_space<hbm>> -> memref<1x4096xf32, #tpu.memory_space<hbm>>
    %dma_start3A_82 = tpu.memref_squeeze %dma_start3A_81 : memref<1x4096xf32, #tpu.memory_space<hbm>> -> memref<4096xf32, #tpu.memory_space<hbm>>
    %dma_start3A_83 = arith.constant 0 : i32
    %dma_start3A_84 = tpu.memref_slice %arg8[%add3A_2, %dma_start3A_83] : memref<64x4096xf32, #tpu.memory_space<hbm>> -> memref<1x4096xf32, #tpu.memory_space<hbm>>
    %dma_start3A_85 = tpu.memref_squeeze %dma_start3A_84 : memref<1x4096xf32, #tpu.memory_space<hbm>> -> memref<4096xf32, #tpu.memory_space<hbm>>
    tpu.enqueue_dma source(%arg17 : memref<4096xf32, #tpu.memory_space<vmem>>) target(%dma_start3A_85 : memref<4096xf32, #tpu.memory_space<hbm>>) target_semaphore(%arg20 : memref<!tpu.dma_semaphore, #tpu.memory_space<semaphore_mem>>)
    %dma_wait3A_86 = arith.constant 0 : i32
    %dma_wait3A_87 = tpu.memref_slice %arg6[%add3A, %dma_wait3A_86] : memref<64x100000xf32, #tpu.memory_space<hbm>> -> memref<1x100000xf32, #tpu.memory_space<hbm>>
    %dma_wait3A_88 = tpu.memref_squeeze %dma_wait3A_87 : memref<1x100000xf32, #tpu.memory_space<hbm>> -> memref<100000xf32, #tpu.memory_space<hbm>>
    %dma_wait3A_89 = arith.constant 0 : i32
    %dma_wait3A_90 = tpu.memref_slice %arg6[%add3A, %dma_wait3A_89] : memref<64x100000xf32, #tpu.memory_space<hbm>> -> memref<1x100000xf32, #tpu.memory_space<hbm>>
    %dma_wait3A_91 = tpu.memref_squeeze %dma_wait3A_90 : memref<1x100000xf32, #tpu.memory_space<hbm>> -> memref<100000xf32, #tpu.memory_space<hbm>>
    tpu.wait_dma2 semaphore(%arg18 : memref<!tpu.dma_semaphore, #tpu.memory_space<semaphore_mem>>) src(%dma_wait3A_91 : memref<100000xf32, #tpu.memory_space<hbm>>) dst(%arg14 : memref<100000xf32, #tpu.memory_space<vmem>>)
    %dma_wait3A_92 = arith.constant 0 : i32
    %dma_wait3A_93 = tpu.memref_slice %arg8[%add3A, %dma_wait3A_92] : memref<64x4096xf32, #tpu.memory_space<hbm>> -> memref<1x4096xf32, #tpu.memory_space<hbm>>
    %dma_wait3A_94 = tpu.memref_squeeze %dma_wait3A_93 : memref<1x4096xf32, #tpu.memory_space<hbm>> -> memref<4096xf32, #tpu.memory_space<hbm>>
    %dma_wait3A_95 = arith.constant 0 : i32
    %dma_wait3A_96 = tpu.memref_slice %arg8[%add3A, %dma_wait3A_95] : memref<64x4096xf32, #tpu.memory_space<hbm>> -> memref<1x4096xf32, #tpu.memory_space<hbm>>
    %dma_wait3A_97 = tpu.memref_squeeze %dma_wait3A_96 : memref<1x4096xf32, #tpu.memory_space<hbm>> -> memref<4096xf32, #tpu.memory_space<hbm>>
    tpu.wait_dma2 semaphore(%arg19 : memref<!tpu.dma_semaphore, #tpu.memory_space<semaphore_mem>>) src(%arg16 : memref<4096xf32, #tpu.memory_space<vmem>>) dst(%dma_wait3A_97 : memref<4096xf32, #tpu.memory_space<hbm>>)
    %scan3A_98 = arith.constant 0 : i32
    %scan3A_99 = arith.constant 0 : i32
    %scan3A_100 = arith.constant 32 : i32
    %scan3A_101 = arith.addi %scan3A_99, %scan3A_100 : i32
    %scan3A_102 = arith.constant 1 : i32
    scf.for %scan3A_152 = %scan3A_99 to %scan3A_101 step %scan3A_102  : i32 {
      %mul3A_153 = arith.constant 8 : i32
      %mul3A_154 = arith.muli %scan3A_152, %mul3A_153 : i32
      %add3A_155 = arith.constant 0 : i32
      %add3A_156 = arith.addi %mul3A_154, %add3A_155 : i32
      %mul3A_157 = arith.constant 16 : i32
      %mul3A_158 = arith.muli %add3A_156, %mul3A_157 : i32
      %get3A = arith.index_cast %mul3A_158 : i32 to index
      %get3A_159 = tpu.vector_load %arg12[%get3A] {strides = array<i32>} : memref<4096xi32, #tpu.memory_space<vmem>>, vector<16xi32>,
      %gather3A = tpu.vector_load_idx %arg14[%get3A_159] : memref<100000xf32, #tpu.memory_space<vmem>>[vector<16xi32>], vector<16xf32>,
      %swap3A = arith.index_cast %mul3A_158 : i32 to index
      %swap3A_160 = tpu.vector_load %arg16[%swap3A] {strides = array<i32>} : memref<4096xf32, #tpu.memory_space<vmem>>, vector<16xf32>,
      tpu.vector_store %arg16[%swap3A], %gather3A {strides = array<i32>} : memref<4096xf32, #tpu.memory_space<vmem>>, vector<16xf32>,
      %mul3A_161 = arith.constant 8 : i32
      %mul3A_162 = arith.muli %scan3A_152, %mul3A_161 : i32
      %add3A_163 = arith.constant 1 : i32
      %add3A_164 = arith.addi %mul3A_162, %add3A_163 : i32
      %mul3A_165 = arith.constant 16 : i32
      %mul3A_166 = arith.muli %add3A_164, %mul3A_165 : i32
      %get3A_167 = arith.index_cast %mul3A_166 : i32 to index
      %get3A_168 = tpu.vector_load %arg12[%get3A_167] {strides = array<i32>} : memref<4096xi32, #tpu.memory_space<vmem>>, vector<16xi32>,
      %gather3A_169 = tpu.vector_load_idx %arg14[%get3A_168] : memref<100000xf32, #tpu.memory_space<vmem>>[vector<16xi32>], vector<16xf32>,
      %swap3A_170 = arith.index_cast %mul3A_166 : i32 to index
      %swap3A_171 = tpu.vector_load %arg16[%swap3A_170] {strides = array<i32>} : memref<4096xf32, #tpu.memory_space<vmem>>, vector<16xf32>,
      tpu.vector_store %arg16[%swap3A_170], %gather3A_169 {strides = array<i32>} : memref<4096xf32, #tpu.memory_space<vmem>>, vector<16xf32>,
      %mul3A_172 = arith.constant 8 : i32
      %mul3A_173 = arith.muli %scan3A_152, %mul3A_172 : i32
      %add3A_174 = arith.constant 2 : i32
      %add3A_175 = arith.addi %mul3A_173, %add3A_174 : i32
      %mul3A_176 = arith.constant 16 : i32
      %mul3A_177 = arith.muli %add3A_175, %mul3A_176 : i32
      %get3A_178 = arith.index_cast %mul3A_177 : i32 to index
      %get3A_179 = tpu.vector_load %arg12[%get3A_178] {strides = array<i32>} : memref<4096xi32, #tpu.memory_space<vmem>>, vector<16xi32>,
      %gather3A_180 = tpu.vector_load_idx %arg14[%get3A_179] : memref<100000xf32, #tpu.memory_space<vmem>>[vector<16xi32>], vector<16xf32>,
      %swap3A_181 = arith.index_cast %mul3A_177 : i32 to index
      %swap3A_182 = tpu.vector_load %arg16[%swap3A_181] {strides = array<i32>} : memref<4096xf32, #tpu.memory_space<vmem>>, vector<16xf32>,
      tpu.vector_store %arg16[%swap3A_181], %gather3A_180 {strides = array<i32>} : memref<4096xf32, #tpu.memory_space<vmem>>, vector<16xf32>,
      %mul3A_183 = arith.constant 8 : i32
      %mul3A_184 = arith.muli %scan3A_152, %mul3A_183 : i32
      %add3A_185 = arith.constant 3 : i32
      %add3A_186 = arith.addi %mul3A_184, %add3A_185 : i32
      %mul3A_187 = arith.constant 16 : i32
      %mul3A_188 = arith.muli %add3A_186, %mul3A_187 : i32
      %get3A_189 = arith.index_cast %mul3A_188 : i32 to index
      %get3A_190 = tpu.vector_load %arg12[%get3A_189] {strides = array<i32>} : memref<4096xi32, #tpu.memory_space<vmem>>, vector<16xi32>,
      %gather3A_191 = tpu.vector_load_idx %arg14[%get3A_190] : memref<100000xf32, #tpu.memory_space<vmem>>[vector<16xi32>], vector<16xf32>,
      %swap3A_192 = arith.index_cast %mul3A_188 : i32 to index
      %swap3A_193 = tpu.vector_load %arg16[%swap3A_192] {strides = array<i32>} : memref<4096xf32, #tpu.memory_space<vmem>>, vector<16xf32>,
      tpu.vector_store %arg16[%swap3A_192], %gather3A_191 {strides = array<i32>} : memref<4096xf32, #tpu.memory_space<vmem>>, vector<16xf32>,
      %mul3A_194 = arith.constant 8 : i32
      %mul3A_195 = arith.muli %scan3A_152, %mul3A_194 : i32
      %add3A_196 = arith.constant 4 : i32
      %add3A_197 = arith.addi %mul3A_195, %add3A_196 : i32
      %mul3A_198 = arith.constant 16 : i32
      %mul3A_199 = arith.muli %add3A_197, %mul3A_198 : i32
      %get3A_200 = arith.index_cast %mul3A_199 : i32 to index
      %get3A_201 = tpu.vector_load %arg12[%get3A_200] {strides = array<i32>} : memref<4096xi32, #tpu.memory_space<vmem>>, vector<16xi32>,
      %gather3A_202 = tpu.vector_load_idx %arg14[%get3A_201] : memref<100000xf32, #tpu.memory_space<vmem>>[vector<16xi32>], vector<16xf32>,
      %swap3A_203 = arith.index_cast %mul3A_199 : i32 to index
      %swap3A_204 = tpu.vector_load %arg16[%swap3A_203] {strides = array<i32>} : memref<4096xf32, #tpu.memory_space<vmem>>, vector<16xf32>,
      tpu.vector_store %arg16[%swap3A_203], %gather3A_202 {strides = array<i32>} : memref<4096xf32, #tpu.memory_space<vmem>>, vector<16xf32>,
      %mul3A_205 = arith.constant 8 : i32
      %mul3A_206 = arith.muli %scan3A_152, %mul3A_205 : i32
      %add3A_207 = arith.constant 5 : i32
      %add3A_208 = arith.addi %mul3A_206, %add3A_207 : i32
      %mul3A_209 = arith.constant 16 : i32
      %mul3A_210 = arith.muli %add3A_208, %mul3A_209 : i32
      %get3A_211 = arith.index_cast %mul3A_210 : i32 to index
      %get3A_212 = tpu.vector_load %arg12[%get3A_211] {strides = array<i32>} : memref<4096xi32, #tpu.memory_space<vmem>>, vector<16xi32>,
      %gather3A_213 = tpu.vector_load_idx %arg14[%get3A_212] : memref<100000xf32, #tpu.memory_space<vmem>>[vector<16xi32>], vector<16xf32>,
      %swap3A_214 = arith.index_cast %mul3A_210 : i32 to index
      %swap3A_215 = tpu.vector_load %arg16[%swap3A_214] {strides = array<i32>} : memref<4096xf32, #tpu.memory_space<vmem>>, vector<16xf32>,
      tpu.vector_store %arg16[%swap3A_214], %gather3A_213 {strides = array<i32>} : memref<4096xf32, #tpu.memory_space<vmem>>, vector<16xf32>,
      %mul3A_216 = arith.constant 8 : i32
      %mul3A_217 = arith.muli %scan3A_152, %mul3A_216 : i32
      %add3A_218 = arith.constant 6 : i32
      %add3A_219 = arith.addi %mul3A_217, %add3A_218 : i32
      %mul3A_220 = arith.constant 16 : i32
      %mul3A_221 = arith.muli %add3A_219, %mul3A_220 : i32
      %get3A_222 = arith.index_cast %mul3A_221 : i32 to index
      %get3A_223 = tpu.vector_load %arg12[%get3A_222] {strides = array<i32>} : memref<4096xi32, #tpu.memory_space<vmem>>, vector<16xi32>,
      %gather3A_224 = tpu.vector_load_idx %arg14[%get3A_223] : memref<100000xf32, #tpu.memory_space<vmem>>[vector<16xi32>], vector<16xf32>,
      %swap3A_225 = arith.index_cast %mul3A_221 : i32 to index
      %swap3A_226 = tpu.vector_load %arg16[%swap3A_225] {strides = array<i32>} : memref<4096xf32, #tpu.memory_space<vmem>>, vector<16xf32>,
      tpu.vector_store %arg16[%swap3A_225], %gather3A_224 {strides = array<i32>} : memref<4096xf32, #tpu.memory_space<vmem>>, vector<16xf32>,
      %mul3A_227 = arith.constant 8 : i32
      %mul3A_228 = arith.muli %scan3A_152, %mul3A_227 : i32
      %add3A_229 = arith.constant 7 : i32
      %add3A_230 = arith.addi %mul3A_228, %add3A_229 : i32
      %mul3A_231 = arith.constant 16 : i32
      %mul3A_232 = arith.muli %add3A_230, %mul3A_231 : i32
      %get3A_233 = arith.index_cast %mul3A_232 : i32 to index
      %get3A_234 = tpu.vector_load %arg12[%get3A_233] {strides = array<i32>} : memref<4096xi32, #tpu.memory_space<vmem>>, vector<16xi32>,
      %gather3A_235 = tpu.vector_load_idx %arg14[%get3A_234] : memref<100000xf32, #tpu.memory_space<vmem>>[vector<16xi32>], vector<16xf32>,
      %swap3A_236 = arith.index_cast %mul3A_232 : i32 to index
      %swap3A_237 = tpu.vector_load %arg16[%swap3A_236] {strides = array<i32>} : memref<4096xf32, #tpu.memory_space<vmem>>, vector<16xf32>,
      tpu.vector_store %arg16[%swap3A_236], %gather3A_235 {strides = array<i32>} : memref<4096xf32, #tpu.memory_space<vmem>>, vector<16xf32>,
    }
    %scan3A_103 = arith.constant 32 : i32
    %dma_start3A_104 = arith.constant 0 : i32
    %dma_start3A_105 = tpu.memref_slice %arg6[%add3A_4, %dma_start3A_104] : memref<64x100000xf32, #tpu.memory_space<hbm>> -> memref<1x100000xf32, #tpu.memory_space<hbm>>
    %dma_start3A_106 = tpu.memref_squeeze %dma_start3A_105 : memref<1x100000xf32, #tpu.memory_space<hbm>> -> memref<100000xf32, #tpu.memory_space<hbm>>
    %dma_start3A_107 = arith.constant 0 : i32
    %dma_start3A_108 = tpu.memref_slice %arg6[%add3A_4, %dma_start3A_107] : memref<64x100000xf32, #tpu.memory_space<hbm>> -> memref<1x100000xf32, #tpu.memory_space<hbm>>
    %dma_start3A_109 = tpu.memref_squeeze %dma_start3A_108 : memref<1x100000xf32, #tpu.memory_space<hbm>> -> memref<100000xf32, #tpu.memory_space<hbm>>
    tpu.enqueue_dma source(%dma_start3A_109 : memref<100000xf32, #tpu.memory_space<hbm>>) target(%arg14 : memref<100000xf32, #tpu.memory_space<vmem>>) target_semaphore(%arg18 : memref<!tpu.dma_semaphore, #tpu.memory_space<semaphore_mem>>)
    %dma_start3A_110 = arith.constant 0 : i32
    %dma_start3A_111 = tpu.memref_slice %arg9[%add3A, %dma_start3A_110] : memref<64x4096xf32, #tpu.memory_space<hbm>> -> memref<1x4096xf32, #tpu.memory_space<hbm>>
    %dma_start3A_112 = tpu.memref_squeeze %dma_start3A_111 : memref<1x4096xf32, #tpu.memory_space<hbm>> -> memref<4096xf32, #tpu.memory_space<hbm>>
    %dma_start3A_113 = arith.constant 0 : i32
    %dma_start3A_114 = tpu.memref_slice %arg9[%add3A, %dma_start3A_113] : memref<64x4096xf32, #tpu.memory_space<hbm>> -> memref<1x4096xf32, #tpu.memory_space<hbm>>
    %dma_start3A_115 = tpu.memref_squeeze %dma_start3A_114 : memref<1x4096xf32, #tpu.memory_space<hbm>> -> memref<4096xf32, #tpu.memory_space<hbm>>
    tpu.enqueue_dma source(%arg16 : memref<4096xf32, #tpu.memory_space<vmem>>) target(%dma_start3A_115 : memref<4096xf32, #tpu.memory_space<hbm>>) target_semaphore(%arg19 : memref<!tpu.dma_semaphore, #tpu.memory_space<semaphore_mem>>)
    %dma_wait3A_116 = arith.constant 0 : i32
    %dma_wait3A_117 = tpu.memref_slice %arg6[%add3A_4, %dma_wait3A_116] : memref<64x100000xf32, #tpu.memory_space<hbm>> -> memref<1x100000xf32, #tpu.memory_space<hbm>>
    %dma_wait3A_118 = tpu.memref_squeeze %dma_wait3A_117 : memref<1x100000xf32, #tpu.memory_space<hbm>> -> memref<100000xf32, #tpu.memory_space<hbm>>
    %dma_wait3A_119 = arith.constant 0 : i32
    %dma_wait3A_120 = tpu.memref_slice %arg6[%add3A_4, %dma_wait3A_119] : memref<64x100000xf32, #tpu.memory_space<hbm>> -> memref<1x100000xf32, #tpu.memory_space<hbm>>
    %dma_wait3A_121 = tpu.memref_squeeze %dma_wait3A_120 : memref<1x100000xf32, #tpu.memory_space<hbm>> -> memref<100000xf32, #tpu.memory_space<hbm>>
    tpu.wait_dma2 semaphore(%arg18 : memref<!tpu.dma_semaphore, #tpu.memory_space<semaphore_mem>>) src(%dma_wait3A_121 : memref<100000xf32, #tpu.memory_space<hbm>>) dst(%arg14 : memref<100000xf32, #tpu.memory_space<vmem>>)
    %dma_wait3A_122 = arith.constant 0 : i32
    %dma_wait3A_123 = tpu.memref_slice %arg8[%add3A_2, %dma_wait3A_122] : memref<64x4096xf32, #tpu.memory_space<hbm>> -> memref<1x4096xf32, #tpu.memory_space<hbm>>
    %dma_wait3A_124 = tpu.memref_squeeze %dma_wait3A_123 : memref<1x4096xf32, #tpu.memory_space<hbm>> -> memref<4096xf32, #tpu.memory_space<hbm>>
    %dma_wait3A_125 = arith.constant 0 : i32
    %dma_wait3A_126 = tpu.memref_slice %arg8[%add3A_2, %dma_wait3A_125] : memref<64x4096xf32, #tpu.memory_space<hbm>> -> memref<1x4096xf32, #tpu.memory_space<hbm>>
    %dma_wait3A_127 = tpu.memref_squeeze %dma_wait3A_126 : memref<1x4096xf32, #tpu.memory_space<hbm>> -> memref<4096xf32, #tpu.memory_space<hbm>>
    tpu.wait_dma2 semaphore(%arg20 : memref<!tpu.dma_semaphore, #tpu.memory_space<semaphore_mem>>) src(%arg17 : memref<4096xf32, #tpu.memory_space<vmem>>) dst(%dma_wait3A_127 : memref<4096xf32, #tpu.memory_space<hbm>>)
    %scan3A_128 = arith.constant 0 : i32
    %scan3A_129 = arith.constant 0 : i32
    %scan3A_130 = arith.constant 32 : i32
    %scan3A_131 = arith.addi %scan3A_129, %scan3A_130 : i32
    %scan3A_132 = arith.constant 1 : i32
    scf.for %scan3A_152 = %scan3A_129 to %scan3A_131 step %scan3A_132  : i32 {
      %mul3A_153 = arith.constant 8 : i32
      %mul3A_154 = arith.muli %scan3A_152, %mul3A_153 : i32
      %add3A_155 = arith.constant 0 : i32
      %add3A_156 = arith.addi %mul3A_154, %add3A_155 : i32
      %mul3A_157 = arith.constant 16 : i32
      %mul3A_158 = arith.muli %add3A_156, %mul3A_157 : i32
      %get3A = arith.index_cast %mul3A_158 : i32 to index
      %get3A_159 = tpu.vector_load %arg12[%get3A] {strides = array<i32>} : memref<4096xi32, #tpu.memory_space<vmem>>, vector<16xi32>,
      %gather3A = tpu.vector_load_idx %arg14[%get3A_159] : memref<100000xf32, #tpu.memory_space<vmem>>[vector<16xi32>], vector<16xf32>,
      %swap3A = arith.index_cast %mul3A_158 : i32 to index
      %swap3A_160 = tpu.vector_load %arg17[%swap3A] {strides = array<i32>} : memref<4096xf32, #tpu.memory_space<vmem>>, vector<16xf32>,
      tpu.vector_store %arg17[%swap3A], %gather3A {strides = array<i32>} : memref<4096xf32, #tpu.memory_space<vmem>>, vector<16xf32>,
      %mul3A_161 = arith.constant 8 : i32
      %mul3A_162 = arith.muli %scan3A_152, %mul3A_161 : i32
      %add3A_163 = arith.constant 1 : i32
      %add3A_164 = arith.addi %mul3A_162, %add3A_163 : i32
      %mul3A_165 = arith.constant 16 : i32
      %mul3A_166 = arith.muli %add3A_164, %mul3A_165 : i32
      %get3A_167 = arith.index_cast %mul3A_166 : i32 to index
      %get3A_168 = tpu.vector_load %arg12[%get3A_167] {strides = array<i32>} : memref<4096xi32, #tpu.memory_space<vmem>>, vector<16xi32>,
      %gather3A_169 = tpu.vector_load_idx %arg14[%get3A_168] : memref<100000xf32, #tpu.memory_space<vmem>>[vector<16xi32>], vector<16xf32>,
      %swap3A_170 = arith.index_cast %mul3A_166 : i32 to index
      %swap3A_171 = tpu.vector_load %arg17[%swap3A_170] {strides = array<i32>} : memref<4096xf32, #tpu.memory_space<vmem>>, vector<16xf32>,
      tpu.vector_store %arg17[%swap3A_170], %gather3A_169 {strides = array<i32>} : memref<4096xf32, #tpu.memory_space<vmem>>, vector<16xf32>,
      %mul3A_172 = arith.constant 8 : i32
      %mul3A_173 = arith.muli %scan3A_152, %mul3A_172 : i32
      %add3A_174 = arith.constant 2 : i32
      %add3A_175 = arith.addi %mul3A_173, %add3A_174 : i32
      %mul3A_176 = arith.constant 16 : i32
      %mul3A_177 = arith.muli %add3A_175, %mul3A_176 : i32
      %get3A_178 = arith.index_cast %mul3A_177 : i32 to index
      %get3A_179 = tpu.vector_load %arg12[%get3A_178] {strides = array<i32>} : memref<4096xi32, #tpu.memory_space<vmem>>, vector<16xi32>,
      %gather3A_180 = tpu.vector_load_idx %arg14[%get3A_179] : memref<100000xf32, #tpu.memory_space<vmem>>[vector<16xi32>], vector<16xf32>,
      %swap3A_181 = arith.index_cast %mul3A_177 : i32 to index
      %swap3A_182 = tpu.vector_load %arg17[%swap3A_181] {strides = array<i32>} : memref<4096xf32, #tpu.memory_space<vmem>>, vector<16xf32>,
      tpu.vector_store %arg17[%swap3A_181], %gather3A_180 {strides = array<i32>} : memref<4096xf32, #tpu.memory_space<vmem>>, vector<16xf32>,
      %mul3A_183 = arith.constant 8 : i32
      %mul3A_184 = arith.muli %scan3A_152, %mul3A_183 : i32
      %add3A_185 = arith.constant 3 : i32
      %add3A_186 = arith.addi %mul3A_184, %add3A_185 : i32
      %mul3A_187 = arith.constant 16 : i32
      %mul3A_188 = arith.muli %add3A_186, %mul3A_187 : i32
      %get3A_189 = arith.index_cast %mul3A_188 : i32 to index
      %get3A_190 = tpu.vector_load %arg12[%get3A_189] {strides = array<i32>} : memref<4096xi32, #tpu.memory_space<vmem>>, vector<16xi32>,
      %gather3A_191 = tpu.vector_load_idx %arg14[%get3A_190] : memref<100000xf32, #tpu.memory_space<vmem>>[vector<16xi32>], vector<16xf32>,
      %swap3A_192 = arith.index_cast %mul3A_188 : i32 to index
      %swap3A_193 = tpu.vector_load %arg17[%swap3A_192] {strides = array<i32>} : memref<4096xf32, #tpu.memory_space<vmem>>, vector<16xf32>,
      tpu.vector_store %arg17[%swap3A_192], %gather3A_191 {strides = array<i32>} : memref<4096xf32, #tpu.memory_space<vmem>>, vector<16xf32>,
      %mul3A_194 = arith.constant 8 : i32
      %mul3A_195 = arith.muli %scan3A_152, %mul3A_194 : i32
      %add3A_196 = arith.constant 4 : i32
      %add3A_197 = arith.addi %mul3A_195, %add3A_196 : i32
      %mul3A_198 = arith.constant 16 : i32
      %mul3A_199 = arith.muli %add3A_197, %mul3A_198 : i32
      %get3A_200 = arith.index_cast %mul3A_199 : i32 to index
      %get3A_201 = tpu.vector_load %arg12[%get3A_200] {strides = array<i32>} : memref<4096xi32, #tpu.memory_space<vmem>>, vector<16xi32>,
      %gather3A_202 = tpu.vector_load_idx %arg14[%get3A_201] : memref<100000xf32, #tpu.memory_space<vmem>>[vector<16xi32>], vector<16xf32>,
      %swap3A_203 = arith.index_cast %mul3A_199 : i32 to index
      %swap3A_204 = tpu.vector_load %arg17[%swap3A_203] {strides = array<i32>} : memref<4096xf32, #tpu.memory_space<vmem>>, vector<16xf32>,
      tpu.vector_store %arg17[%swap3A_203], %gather3A_202 {strides = array<i32>} : memref<4096xf32, #tpu.memory_space<vmem>>, vector<16xf32>,
      %mul3A_205 = arith.constant 8 : i32
      %mul3A_206 = arith.muli %scan3A_152, %mul3A_205 : i32
      %add3A_207 = arith.constant 5 : i32
      %add3A_208 = arith.addi %mul3A_206, %add3A_207 : i32
      %mul3A_209 = arith.constant 16 : i32
      %mul3A_210 = arith.muli %add3A_208, %mul3A_209 : i32
      %get3A_211 = arith.index_cast %mul3A_210 : i32 to index
      %get3A_212 = tpu.vector_load %arg12[%get3A_211] {strides = array<i32>} : memref<4096xi32, #tpu.memory_space<vmem>>, vector<16xi32>,
      %gather3A_213 = tpu.vector_load_idx %arg14[%get3A_212] : memref<100000xf32, #tpu.memory_space<vmem>>[vector<16xi32>], vector<16xf32>,
      %swap3A_214 = arith.index_cast %mul3A_210 : i32 to index
      %swap3A_215 = tpu.vector_load %arg17[%swap3A_214] {strides = array<i32>} : memref<4096xf32, #tpu.memory_space<vmem>>, vector<16xf32>,
      tpu.vector_store %arg17[%swap3A_214], %gather3A_213 {strides = array<i32>} : memref<4096xf32, #tpu.memory_space<vmem>>, vector<16xf32>,
      %mul3A_216 = arith.constant 8 : i32
      %mul3A_217 = arith.muli %scan3A_152, %mul3A_216 : i32
      %add3A_218 = arith.constant 6 : i32
      %add3A_219 = arith.addi %mul3A_217, %add3A_218 : i32
      %mul3A_220 = arith.constant 16 : i32
      %mul3A_221 = arith.muli %add3A_219, %mul3A_220 : i32
      %get3A_222 = arith.index_cast %mul3A_221 : i32 to index
      %get3A_223 = tpu.vector_load %arg12[%get3A_222] {strides = array<i32>} : memref<4096xi32, #tpu.memory_space<vmem>>, vector<16xi32>,
      %gather3A_224 = tpu.vector_load_idx %arg14[%get3A_223] : memref<100000xf32, #tpu.memory_space<vmem>>[vector<16xi32>], vector<16xf32>,
      %swap3A_225 = arith.index_cast %mul3A_221 : i32 to index
      %swap3A_226 = tpu.vector_load %arg17[%swap3A_225] {strides = array<i32>} : memref<4096xf32, #tpu.memory_space<vmem>>, vector<16xf32>,
      tpu.vector_store %arg17[%swap3A_225], %gather3A_224 {strides = array<i32>} : memref<4096xf32, #tpu.memory_space<vmem>>, vector<16xf32>,
      %mul3A_227 = arith.constant 8 : i32
      %mul3A_228 = arith.muli %scan3A_152, %mul3A_227 : i32
      %add3A_229 = arith.constant 7 : i32
      %add3A_230 = arith.addi %mul3A_228, %add3A_229 : i32
      %mul3A_231 = arith.constant 16 : i32
      %mul3A_232 = arith.muli %add3A_230, %mul3A_231 : i32
      %get3A_233 = arith.index_cast %mul3A_232 : i32 to index
      %get3A_234 = tpu.vector_load %arg12[%get3A_233] {strides = array<i32>} : memref<4096xi32, #tpu.memory_space<vmem>>, vector<16xi32>,
      %gather3A_235 = tpu.vector_load_idx %arg14[%get3A_234] : memref<100000xf32, #tpu.memory_space<vmem>>[vector<16xi32>], vector<16xf32>,
      %swap3A_236 = arith.index_cast %mul3A_232 : i32 to index
      %swap3A_237 = tpu.vector_load %arg17[%swap3A_236] {strides = array<i32>} : memref<4096xf32, #tpu.memory_space<vmem>>, vector<16xf32>,
      tpu.vector_store %arg17[%swap3A_236], %gather3A_235 {strides = array<i32>} : memref<4096xf32, #tpu.memory_space<vmem>>, vector<16xf32>,
    }
    %scan3A_133 = arith.constant 32 : i32
    %dma_start3A_134 = arith.constant 0 : i32
    %dma_start3A_135 = tpu.memref_slice %arg9[%add3A_4, %dma_start3A_134] : memref<64x4096xf32, #tpu.memory_space<hbm>> -> memref<1x4096xf32, #tpu.memory_space<hbm>>
    %dma_start3A_136 = tpu.memref_squeeze %dma_start3A_135 : memref<1x4096xf32, #tpu.memory_space<hbm>> -> memref<4096xf32, #tpu.memory_space<hbm>>
    %dma_start3A_137 = arith.constant 0 : i32
    %dma_start3A_138 = tpu.memref_slice %arg9[%add3A_4, %dma_start3A_137] : memref<64x4096xf32, #tpu.memory_space<hbm>> -> memref<1x4096xf32, #tpu.memory_space<hbm>>
    %dma_start3A_139 = tpu.memref_squeeze %dma_start3A_138 : memref<1x4096xf32, #tpu.memory_space<hbm>> -> memref<4096xf32, #tpu.memory_space<hbm>>
    tpu.enqueue_dma source(%arg17 : memref<4096xf32, #tpu.memory_space<vmem>>) target(%dma_start3A_139 : memref<4096xf32, #tpu.memory_space<hbm>>) target_semaphore(%arg20 : memref<!tpu.dma_semaphore, #tpu.memory_space<semaphore_mem>>)
    %dma_wait3A_140 = arith.constant 0 : i32
    %dma_wait3A_141 = tpu.memref_slice %arg9[%add3A, %dma_wait3A_140] : memref<64x4096xf32, #tpu.memory_space<hbm>> -> memref<1x4096xf32, #tpu.memory_space<hbm>>
    %dma_wait3A_142 = tpu.memref_squeeze %dma_wait3A_141 : memref<1x4096xf32, #tpu.memory_space<hbm>> -> memref<4096xf32, #tpu.memory_space<hbm>>
    %dma_wait3A_143 = arith.constant 0 : i32
    %dma_wait3A_144 = tpu.memref_slice %arg9[%add3A, %dma_wait3A_143] : memref<64x4096xf32, #tpu.memory_space<hbm>> -> memref<1x4096xf32, #tpu.memory_space<hbm>>
    %dma_wait3A_145 = tpu.memref_squeeze %dma_wait3A_144 : memref<1x4096xf32, #tpu.memory_space<hbm>> -> memref<4096xf32, #tpu.memory_space<hbm>>
    tpu.wait_dma2 semaphore(%arg19 : memref<!tpu.dma_semaphore, #tpu.memory_space<semaphore_mem>>) src(%arg16 : memref<4096xf32, #tpu.memory_space<vmem>>) dst(%dma_wait3A_145 : memref<4096xf32, #tpu.memory_space<hbm>>)
    %dma_wait3A_146 = arith.constant 0 : i32
    %dma_wait3A_147 = tpu.memref_slice %arg9[%add3A_4, %dma_wait3A_146] : memref<64x4096xf32, #tpu.memory_space<hbm>> -> memref<1x4096xf32, #tpu.memory_space<hbm>>
    %dma_wait3A_148 = tpu.memref_squeeze %dma_wait3A_147 : memref<1x4096xf32, #tpu.memory_space<hbm>> -> memref<4096xf32, #tpu.memory_space<hbm>>
    %dma_wait3A_149 = arith.constant 0 : i32
    %dma_wait3A_150 = tpu.memref_slice %arg9[%add3A_4, %dma_wait3A_149] : memref<64x4096xf32, #tpu.memory_space<hbm>> -> memref<1x4096xf32, #tpu.memory_space<hbm>>
    %dma_wait3A_151 = tpu.memref_squeeze %dma_wait3A_150 : memref<1x4096xf32, #tpu.memory_space<hbm>> -> memref<4096xf32, #tpu.memory_space<hbm>>
    tpu.wait_dma2 semaphore(%arg20 : memref<!tpu.dma_semaphore, #tpu.memory_space<semaphore_mem>>) src(%arg17 : memref<4096xf32, #tpu.memory_space<vmem>>) dst(%dma_wait3A_151 : memref<4096xf32, #tpu.memory_space<hbm>>)
    return
  }
}

module attributes {stable_mosaic.version = 14 : i64} {
  func.func @body(%arg0: i32, %arg1: memref<2048x128xf32, #tpu.memory_space<vmem>>, %arg2: memref<64x2048xf32, #tpu.memory_space<vmem>>, %arg3: memref<64x2048xf32, #tpu.memory_space<vmem>>, %arg4: memref<32x2048xf32, #tpu.memory_space<vmem>>, %arg5: memref<288x256xf32, #tpu.memory_space<vmem>>, %arg6: memref<1x256xf32, #tpu.memory_space<vmem>>, %arg7: memref<2048x256xf32, #tpu.memory_space<vmem>>) attributes {dimension_semantics = [#tpu.dimension_semantics<arbitrary>], iteration_bounds = array<i64: 2>, scalar_prefetch = 0 : i64, scratch_operands = 0 : i64, tpu.core_type = #tpu.core_type<tc>, window_params = [{transform_indices = @transform_0, window_bounds = array<i64: 2048, 128>}, {transform_indices = @transform_1, window_bounds = array<i64: 64, 2048>}, {transform_indices = @transform_2, window_bounds = array<i64: 64, 2048>}, {transform_indices = @transform_3, window_bounds = array<i64: 32, 2048>}, {pipeline_mode = #tpu.pipeline_mode<synchronous>, transform_indices = @transform_4, window_bounds = array<i64: 288, 256>}, {pipeline_mode = #tpu.pipeline_mode<synchronous>, transform_indices = @transform_5, window_bounds = array<i64: 1, 256>}, {transform_indices = @transform_6, window_bounds = array<i64: 2048, 256>}]} {
    %get3A = arith.constant 0 : index
    %get3A_0 = arith.constant 0 : index
    %get3A_1 = vector.load %arg1[%get3A, %get3A_0] : memref<2048x128xf32, #tpu.memory_space<vmem>>, vector<2048x128xf32>
    %get3A_2 = arith.constant 0 : index
    %get3A_3 = arith.constant 0 : index
    %get3A_4 = vector.load %arg5[%get3A_2, %get3A_3] : memref<288x256xf32, #tpu.memory_space<vmem>>, vector<128x256xf32>
    %dot_general3A = arith.constant dense<0.000000e+00> : vector<2048x256xf32>
    %dot_general3A_5 = tpu.matmul %get3A_1, %get3A_4, %dot_general3A {dimension_numbers = #tpu.dot_dimension_numbers<[1], [0], [0], [1], [0, 0, 1, 1], [], []>, transpose_lhs_hint = false} : vector<2048x128xf32>, vector<128x256xf32>, vector<2048x256xf32> -> vector<2048x256xf32>
    %get3A_6 = arith.constant 0 : index
    %get3A_7 = arith.constant 0 : index
    %get3A_8 = vector.load %arg2[%get3A_6, %get3A_7] : memref<64x2048xf32, #tpu.memory_space<vmem>>, vector<64x2048xf32>
    %get3A_9 = arith.constant 128 : index
    %get3A_10 = arith.constant 0 : index
    %get3A_11 = vector.load %arg5[%get3A_9, %get3A_10] : memref<288x256xf32, #tpu.memory_space<vmem>>, vector<64x256xf32>
    %dot_general3A_12 = arith.constant dense<0.000000e+00> : vector<2048x256xf32>
    %dot_general3A_13 = tpu.matmul %get3A_8, %get3A_11, %dot_general3A_12 {dimension_numbers = #tpu.dot_dimension_numbers<[0], [0], [1], [1], [0, 1, 1, 1], [], []>, transpose_lhs_hint = false} : vector<64x2048xf32>, vector<64x256xf32>, vector<2048x256xf32> -> vector<2048x256xf32>
    %add3A = arith.addf %dot_general3A_5, %dot_general3A_13 : vector<2048x256xf32>
    %get3A_14 = arith.constant 0 : index
    %get3A_15 = arith.constant 0 : index
    %get3A_16 = vector.load %arg3[%get3A_14, %get3A_15] : memref<64x2048xf32, #tpu.memory_space<vmem>>, vector<64x2048xf32>
    %get3A_17 = arith.constant 192 : index
    %get3A_18 = arith.constant 0 : index
    %get3A_19 = vector.load %arg5[%get3A_17, %get3A_18] : memref<288x256xf32, #tpu.memory_space<vmem>>, vector<64x256xf32>
    %dot_general3A_20 = arith.constant dense<0.000000e+00> : vector<2048x256xf32>
    %dot_general3A_21 = tpu.matmul %get3A_16, %get3A_19, %dot_general3A_20 {dimension_numbers = #tpu.dot_dimension_numbers<[0], [0], [1], [1], [0, 1, 1, 1], [], []>, transpose_lhs_hint = false} : vector<64x2048xf32>, vector<64x256xf32>, vector<2048x256xf32> -> vector<2048x256xf32>
    %add3A_22 = arith.addf %add3A, %dot_general3A_21 : vector<2048x256xf32>
    %get3A_23 = arith.constant 0 : index
    %get3A_24 = arith.constant 0 : index
    %get3A_25 = vector.load %arg4[%get3A_23, %get3A_24] : memref<32x2048xf32, #tpu.memory_space<vmem>>, vector<32x2048xf32>
    %get3A_26 = arith.constant 256 : index
    %get3A_27 = arith.constant 0 : index
    %get3A_28 = vector.load %arg5[%get3A_26, %get3A_27] : memref<288x256xf32, #tpu.memory_space<vmem>>, vector<32x256xf32>
    %dot_general3A_29 = arith.constant dense<0.000000e+00> : vector<2048x256xf32>
    %dot_general3A_30 = tpu.matmul %get3A_25, %get3A_28, %dot_general3A_29 {dimension_numbers = #tpu.dot_dimension_numbers<[0], [0], [1], [1], [0, 1, 1, 1], [], []>, transpose_lhs_hint = false} : vector<32x2048xf32>, vector<32x256xf32>, vector<2048x256xf32> -> vector<2048x256xf32>
    %add3A_31 = arith.addf %add3A_22, %dot_general3A_30 : vector<2048x256xf32>
    %get3A_32 = arith.constant 0 : index
    %get3A_33 = arith.constant 0 : index
    %get3A_34 = vector.load %arg6[%get3A_32, %get3A_33] : memref<1x256xf32, #tpu.memory_space<vmem>>, vector<1x256xf32>
    %add3A_35 = vector.broadcast %get3A_34 : vector<1x256xf32> to vector<2048x256xf32>
    %add3A_36 = arith.addf %add3A_31, %add3A_35 : vector<2048x256xf32>
    %swap3A = arith.constant 0 : index
    %swap3A_37 = arith.constant 0 : index
    %swap3A_38 = vector.load %arg7[%swap3A, %swap3A_37] : memref<2048x256xf32, #tpu.memory_space<vmem>>, vector<2048x256xf32>
    tpu.vector_store %arg7[%swap3A, %swap3A_37], %add3A_36 {strides = array<i32>} : memref<2048x256xf32, #tpu.memory_space<vmem>>, vector<2048x256xf32>,
    return
  }
  func.func @transform_0(%arg0: i32) -> (i32, i32) {
    %c0_i32 = arith.constant 0 : i32
    %c0_i32_0 = arith.constant 0 : i32
    return %arg0, %c0_i32 : i32, i32
  }
  func.func @transform_1(%arg0: i32) -> (i32, i32) {
    %c0_i32 = arith.constant 0 : i32
    %c0_i32_0 = arith.constant 0 : i32
    return %c0_i32, %arg0 : i32, i32
  }
  func.func @transform_2(%arg0: i32) -> (i32, i32) {
    %c0_i32 = arith.constant 0 : i32
    %c0_i32_0 = arith.constant 0 : i32
    return %c0_i32, %arg0 : i32, i32
  }
  func.func @transform_3(%arg0: i32) -> (i32, i32) {
    %c0_i32 = arith.constant 0 : i32
    %c0_i32_0 = arith.constant 0 : i32
    return %c0_i32, %arg0 : i32, i32
  }
  func.func @transform_4(%arg0: i32) -> (i32, i32) {
    %c0_i32 = arith.constant 0 : i32
    %c0_i32_0 = arith.constant 0 : i32
    %c0_i32_1 = arith.constant 0 : i32
    return %c0_i32, %c0_i32_0 : i32, i32
  }
  func.func @transform_5(%arg0: i32) -> (i32, i32) {
    %c0_i32 = arith.constant 0 : i32
    %c0_i32_0 = arith.constant 0 : i32
    %c0_i32_1 = arith.constant 0 : i32
    return %c0_i32, %c0_i32_0 : i32, i32
  }
  func.func @transform_6(%arg0: i32) -> (i32, i32) {
    %c0_i32 = arith.constant 0 : i32
    %c0_i32_0 = arith.constant 0 : i32
    return %arg0, %c0_i32 : i32, i32
  }
}

</mosaic_0001>

<sc_bundles>
// kernel: kernel.4.cloned.1.call-start
scs
__scs_entry_jumppad:
0x0: {  	(pc) =	sbr.rel $0x88, $3  }
0x1: {  	(tag) =	ssettag $0x0;
	lr =	simm.s32 $0x1  }
0x2: {  	[smem:$0x3F98] =	sst lr;
	_ =	strace $0xD0000000  }
0x3: {  	_ = 	snop  }
0x4: {  	_ = 	snop  }
0x5: {  	_ = 	snop  }
0x6: {  	_ = 	snop  }
0x7: {  	_ = 	snop  }
__scs_overlays_trampoline_lowered:
0x8: {  	[smem:$0x3FA7] =	sst s0  }
0x9: {  	[smem:$0x3FA8] =	sst s1  }
0xa: {  	[smem:$0x3FA9] =	sst s2  }
0xb: {  	[smem:$0x3FAA] =	sst s3  }
0xc: {  	[smem:$0x3FAB] =	sst s4  }
0xd: {  	[smem:$0x3FAC] =	sst s5  }
0xe: {  	[smem:$0x3FAD] =	sst s6  }
0xf: {  	[smem:$0x3FAE] =	sst s7  }
0x10: {  	[smem:$0x3FAF] =	sst s8  }
0x11: {  	[smem:$0x3FB0] =	sst s9;
	s0 =	simm.s32 @!p0 $0x0  }
0x12: {  	s1 =	sld [smem:$0x3F96];
	s0 =	simm.s32 @p0 $0x1  }
0x13: {  	[smem:$0x3FB1] =	sst s0;
	s0 =	simm.s32 @!p1 $0x0  }
0x14: {  	s2 =	sld [smem:$0x3F95];
	s0 =	simm.s32 @p1 $0x1  }
0x15: {  	[smem:$0x3FB2] =	sst s0;
	s0 =	simm.s32 @!p2 $0x0  }
0x16: {  	s3 =	sld [smem:$0x3FDB];
	s0 =	simm.s32 @p2 $0x1  }
0x17: {  	s4 =	simm.s32 $0x1BF5;
	[smem:$0x3FB4] =	sst s0  }
0x18: {  	s0 =	sld [smem:$0x3F97];
	_ =	swait.ge [sflag:s4], $0x0  }
0x19: {  	s7 =	sld [smem:$0x3F98]  }
0x1a: {  	s8 =	sadd.s32 $0xFFFFE003, lr  }
0x1b: {  	s9 =	sadd.s32 $0xFFFFFEF7, lr;
	s5 =	simm.s32 $0xFFFFFFFF;
	p2 =	slt.u32 s8, $0xFFFFF086  }
0x1c: {  	p1 =	slt.u32 s9, $0xF7A;
	s5 =	simm.s32 @!p2 $0x0  }
0x1d: {  	s5 =	simm.s32 @p1 $0x1;
	p0 =	seq.s32 s7, s2  }
0x1e: {  	s7 =	smul.u32 @!p0 $0xF7A, s2;
	p2 =	seq.s32 @!p0 s5, $0x0  }
0x1f: {  	s9 =	smul.u32 $0xF7A, s1;
	s8 =	simm.s32 @!p0 $0x1BF5;
	p2 =	por !p2, p0  }
0x20: {  	[sflag:s8] =	ssyncset.s32 @!p0 $0xFFFFF086;
	s6 =	sadd.s32 @!p0 s3, s7;
	s7 =	simm.s32 @!p0 $0x108  }
0x21: {  	s3 =	sadd.s32 s3, s9;
	s6 =	sadd.s32 @!p0 $0x88, s6;
	s7 =	simm.s32 @p2 $0x1082  }
0x22: {  	[simem:s7], [sflag:s8] =	dma.local @!p0 [hbm:s6], $0xF7A  }
0x23: {  	s9 =	sor.u32 $0xD0000000, s2;
	s6 =	simm.s32 $0x108;
	_ =	swait.ge @!p0 [sflag:s8], $0x0  }
0x24: {  	s3 =	sadd.s32 $0x88, s3;
	s6 =	simm.s32 @!p1 $0x1082;
	[sflag:s4] =	ssyncset.s32 $0xFFFFF086  }
0x25: {  	[simem:s6], [sflag:s4] =	dma.local [hbm:s3], $0xF7A  }
0x26: {  	[smem:$0x3F98] =	sst s1;
	(tag) =	ssettag s2;
	_ =	strace s9  }
0x27: {  	s1 =	sld [smem:$0x3FA8]  }
0x28: {  	s2 =	sld [smem:$0x3FA9]  }
0x29: {  	s4 =	sld [smem:$0x3FAB]  }
0x2a: {  	p0 =	seq.s32 s5, $0x0;
	s5 =	sld [smem:$0x3FAC]  }
0x2b: {  	s6 =	sld [smem:$0x3FAD]  }
0x2c: {  	s7 =	sld [smem:$0x3FAE]  }
0x2d: {  	s3 =	simm.s32 $0x108;
	s8 =	sld [smem:$0x3FAF]  }
0x2e: {  	s3 =	simm.s32 @!p0 $0x1082;
	s9 =	sld [smem:$0x3FB0]  }
0x2f: {  	lr =	sadd.s32 s0, s3;
	s0 =	sld [smem:$0x3FA7]  }
0x30: {  	s3 =	sld [smem:$0x3FAA]  }
0x31: {  	[smem:$0x3FB3] =	sst s10  }
0x32: {  	s10 =	sld [smem:$0x3FB1];
	_ =	sdelay $0x3  }
0x33: {  	p0 =	seq.s32 s10, $0x1;
	s10 =	sld [smem:$0x3FB3];
	_ =	sdelay $0x3  }
0x34: {  	[smem:$0x3FB3] =	sst s10  }
0x35: {  	s10 =	sld [smem:$0x3FB2];
	_ =	sdelay $0x3  }
0x36: {  	p1 =	seq.s32 s10, $0x1;
	s10 =	sld [smem:$0x3FB3];
	_ =	sdelay $0x3  }
0x37: {  	[smem:$0x3FB3] =	sst s10  }
0x38: {  	s10 =	sld [smem:$0x3FB4]  }
0x39: {  	_ = 	snop;
	(pc) =	sbr.ind lr, $3  }
0x3a: {  	_ = 	snop  }
0x3b: {  	_ = 	snop  }
0x3c: {  	p2 =	seq.s32 s10, $0x1;
	s10 =	sld [smem:$0x3FB3]  }
0x3d: {  	_ =	shalt  }
0x3e: {  	_ =	shalt  }
0x3f: {  	_ =	shalt  }
0x40: {  	_ =	shalt  }
0x41: {  	_ =	shalt  }
0x42: {  	_ =	shalt  }
0x43: {  	_ =	shalt  }
0x44: {  	_ =	shalt  }
0x45: {  	_ =	shalt  }
0x46: {  	_ =	shalt  }
0x47: {  	_ =	shalt  }
0x48: {  	_ =	shalt  }
0x49: {  	_ =	shalt  }
0x4a: {  	_ =	shalt  }
0x4b: {  	_ =	shalt  }
0x4c: {  	_ =	shalt  }
0x4d: {  	_ =	shalt  }
0x4e: {  	_ =	shalt  }
0x4f: {  	_ =	shalt  }
0x50: {  	_ =	shalt  }
0x51: {  	_ =	shalt  }
0x52: {  	_ =	shalt  }
0x53: {  	_ =	shalt  }
0x54: {  	_ =	shalt  }
0x55: {  	_ =	shalt  }
0x56: {  	_ =	shalt  }
0x57: {  	_ =	shalt  }
0x58: {  	_ =	shalt  }
0x59: {  	_ =	shalt  }
0x5a: {  	_ =	shalt  }
0x5b: {  	_ =	shalt  }
0x5c: {  	_ =	shalt  }
0x5d: {  	_ =	shalt  }
0x5e: {  	_ =	shalt  }
0x5f: {  	_ =	shalt  }
0x60: {  	_ =	shalt  }
0x61: {  	_ =	shalt  }
0x62: {  	_ =	shalt  }
0x63: {  	_ =	shalt  }
0x64: {  	_ =	shalt  }
0x65: {  	_ =	shalt  }
0x66: {  	_ =	shalt  }
0x67: {  	_ =	shalt  }
0x68: {  	_ =	shalt  }
0x69: {  	_ =	shalt  }
0x6a: {  	_ =	shalt  }
0x6b: {  	_ =	shalt  }
0x6c: {  	_ =	shalt  }
0x6d: {  	_ =	shalt  }
0x6e: {  	_ =	shalt  }
0x6f: {  	_ =	shalt  }
0x70: {  	_ =	shalt  }
0x71: {  	_ =	shalt  }
0x72: {  	_ =	shalt  }
0x73: {  	_ =	shalt  }
0x74: {  	_ =	shalt  }
0x75: {  	_ =	shalt  }
0x76: {  	_ =	shalt  }
0x77: {  	_ =	shalt  }
0x78: {  	_ =	shalt  }
0x79: {  	_ =	shalt  }
0x7a: {  	_ =	shalt  }
0x7b: {  	_ =	shalt  }
0x7c: {  	_ =	shalt  }
0x7d: {  	_ =	shalt  }
0x7e: {  	_ =	shalt  }
0x7f: {  	_ =	shalt  }
0x80: {  	_ =	shalt  }
0x81: {  	_ =	shalt  }
0x82: {  	_ =	shalt  }
0x83: {  	_ =	shalt  }
0x84: {  	_ =	shalt  }
0x85: {  	_ =	shalt  }
0x86: {  	_ =	shalt  }
0x87: {  	_ =	shalt  }
.Lfunc_end0:
.L_simem_size_0:
called_computation_lowered:
.L_overlay_start_0:
0x88: {  	s2 =	sld [smem:$0x3FD9]  }
0x89: {  	s3 =	sld [smem:$0x3FFE];
	_ =	sdelay $0x1  }
0x8a: {  	s1 =	srdreg.scid  }
0x8b: {  	s0 =	sand.u32 $0x1, s1  }
0x8c: {  	s17 =	sshll.u32 s0, $0xA;
	s2 =	sadd.s32 s3, s2  }
0x8d: {  	s2 =	sadd.s32 s2, s17  }
0x8e: {  	[smem:$0x3FBF] =	sst s2  }
0x8f: {  	_ = 	snop  }
0x90: {  	s2 =	sld [smem:$0x3FC8]  }
0x91: {  	s18 =	sld [smem:$0x3FC7]  }
0x92: {  	s4 =	sld [smem:$0x3FC6]  }
0x93: {  	s5 =	sld [smem:$0x3FC5]  }
0x94: {  	s6 =	sld [smem:$0x3FC4]  }
0x95: {  	s7 =	sld [smem:$0x3FC3]  }
0x96: {  	s8 =	sld [smem:$0x3FD0];
	(tm) =	ssettm $0x1  }
0x97: {  	s9 =	sld [smem:$0x3FFB];
	_ =	sdelay $0x3  }
0x98: {  	_ =	strace s9  }
0x99: {  	s9 =	sld [smem:$0x3FFC];
	_ =	sdelay $0x3  }
0x9a: {  	_ =	strace s9  }
0x9b: {  	s9 =	sld [smem:$0x3FFD];
	_ =	sdelay $0x3  }
0x9c: {  	_ =	strace s9  }
0x9d: {  	_ =	strace $0x8FFFFFFF  }
0x9e: {  	s19 =	sld [smem:$0x3FDB];
	_ =	sdelay $0x1  }
0x9f: {  	s10 =	simm.s32 $_scs_section_size  }
0xa0: {  	s11 =	simm.s32 $_size__tile_overlayer_lowered;
	s12 =	simm.s32 $_tile_overlayer_lowered  }
0xa1: {  	s22 =	simm.s32 $0x1BFF;
	s21 =	sshll.u32 s12, $0x1;
	s9 =	sadd.s32 s10, s19  }
0xa2: {  	s13 =	simm.s32 $0x0;
	s20 =	sshll.u32 s11, $0x1;
	s11 =	sadd.s32 s21, s9  }
0xa3: {  	[timem:s13], [sflag:s22] =	dma.local [hbm:s11], s20  }
0xa4: {  	_ =	swait.ge [sflag:s22], s20  }
0xa5: {  	s10 =	ssub.s32 $0x0, s20;
	[sflag:s22] =	ssyncset.done $0x0  }
0xa6: {  	[sflag:s22] =	ssyncadd.s32 s10;
	_ =	sdelay $0x1  }
0xa7: {  	s23 =	simm.s32 $0x1B8B  }
0xa8: {  	_ =	swait.ge [sflag:s23], $0x1  }
0xa9: {  	[sflag:s23] =	ssyncset.done $0x0  }
0xaa: {  	s25 =	simm.s32 $0x1B8E;
	s24 =	sld [smem:$0x3FFE];
	[sflag:s23] =	ssyncadd.s32 $0xFFFFFFFF  }
0xab: {  	s26 =	simm.s32 $execute0_lowered;
	[smem:$0x3FD2] =	sst s25  }
0xac: {  	s11 =	sshll.u32 s26, $0x1;
	_ =	strace $0x80000046;
	[dreg:$0x1] =	wrdreg $0xFFFFFFFF  }
0xad: {  	s28 =	simm.s32 $_size_execute0_lowered;
	s9 =	sadd.s32 s9, s11;
	[dreg:$0x0] =	wrdreg $0x0  }
0xae: {  	s11 =	sshll.u32 s28, $0x1;
	[dreg:$0x2] =	wrdreg s9  }
0xaf: {  	[dreg:$0x3] =	wrdreg s11  }
0xb0: {  	[dreg:$0x4] =	wrdreg $0xC0  }
0xb1: {  	_ =	task [dreg:s13], $0x5FFFF  }
0xb2: {  	[dreg:$0x1] =	wrdreg $0xFFFFFFFF  }
0xb3: {  	[dreg:$0x0] =	wrdreg $0x60  }
0xb4: {  	[dreg:$0x2] =	wrdreg s2  }
0xb5: {  	[dreg:$0x3] =	wrdreg s18  }
0xb6: {  	[dreg:$0x4] =	wrdreg s4  }
0xb7: {  	[dreg:$0x5] =	wrdreg s5  }
0xb8: {  	[dreg:$0x6] =	wrdreg s6  }
0xb9: {  	[dreg:$0x7] =	wrdreg s7  }
0xba: {  	[dreg:$0x8] =	wrdreg s8  }
0xbb: {  	[dreg:$0x9] =	wrdreg s24  }
0xbc: {  	[dreg:$0xa] =	wrdreg $0x9  }
0xbd: {  	_ =	task.clear_ibuf [dreg:s13], $0xBFFFF;
	_ =	strace $0x90000046  }
0xbe: {  	s29 =	simm.s32 $0x9;
	_ =	strace $0x80000048  }
0xbf: {  	_ =	swait.ge [sflag:s29], $0x1  }
0xc0: {  	[sflag:s29] =	ssyncadd.s32 $0xFFFFFFFF  }
0xc1: {  	_ =	strace $0x90000048  }
0xc2: {  	_ =	sfence  }
0xc3: {  	s30 =	sld [smem:$0x0];
	_ =	sdelay $0x2  }
0xc4: {  	s31 =	sshll.u32 s1, $0xD;
	s1 =	sshrl.u32 s1, $0x2  }
0xc5: {  	s3 =	sand.u32 $0x4000, s31;
	s1 =	sadd.s32 s1, s30  }
0xc6: {  	s0 =	sor.u32 s3, s0;
	s1 =	sshll.u32 s1, $0x11  }
0xc7: {  	s0 =	sor.u32 s1, s0  }
0xc8: {  	s0 =	sadd.s32 $0x8F2B, s0  }
0xc9: {  	[sflag:s0] =	ssyncadd.remote.s32 $0x1  }
0xca: {  	_ =	sfence.sel $0xFFFF  }
0xcb: {  	[dreg:$0x0] =	wrdreg $0xFFFFFFFF;
	(pc) =	sbr.abs _section_cstart, $3  }
0xcc: {  	[dreg:$0x1] =	wrdreg $0xFFFFFFFF  }
0xcd: {  	_ =	task.clear_ibuf [dreg:s13], $0x2FFFF;
	_ =	strace $0x9FFFFFFF  }
0xce: {  	(tm) =	ssettm $0x7FFFFFFF  }
0xcf: {  	_ =	shalt  }
tec
execute0_lowered:
.L_overlay_start_1:
0x0: {  	(tag) =	ssettag $0x1  }
0x1: {  	s0 =	rddreg [dreg:$0x0]  }
0x2: {  	s1 =	rddreg [dreg:$0x1]  }
0x3: {  	s3 =	rddreg [dreg:$0x2]  }
0x4: {  	s2 =	rddreg [dreg:$0x3]  }
0x5: {  	s4 =	rddreg [dreg:$0x4]  }
0x6: {  	s7 =	rddreg [dreg:$0x5]  }
0x7: {  	s12 =	rddreg [dreg:$0x6]  }
0x8: {  	s6 =	rddreg [dreg:$0x7]  }
0x9: {  	s8 =	srdreg.scid;
	s10 =	stileid.u32  }
0xa: {  	s5 =	simm.s32 $0x0;
	s20 =	simm.s32 $0x1000;
	s28 =	simm.s32 $0x3  }
0xb: {  	s29 =	simm.s32 $0x2;
	s30 =	simm.s32 $0x0;
	s8 =	sand.u32 $0x1, s8  }
0xc: {  	s9 =	sshll.u32 s10, $0x8;
	s10 =	sshrl.u32 s10, $0x2;
	[smem:$0x7FF] =	sst s5  }
0xd: {  	s15 =	sadd.s32 $0x1400, s6;
	s11 =	sshll.u32 s8, $0x7;
	s9 =	sand.u32 $0x300, s9  }
0xe: {  	s21 =	sshll.u32 s10, $0xF;
	_ =	strace $0x80000047;
	s8 =	ssub.s32 $0x2, s8  }
0xf: {  	s22 =	smul.u32 $0xC3800, s10;
	s16 =	sor.u32 $0x4, s10;
	s10 =	sshll.u32 s10, $0xD  }
0x10: {  	s11 =	sor.u32 s11, s9;
	s23 =	sshrl.u32 s8, $0x1;
	s17 =	smul.u32 $0xC3800, s16  }
0x11: {  	s26 =	sshll.u32 s16, $0xF;
	s9 =	sor.u32 s21, s11;
	s18 =	ssub.s32 s8, s23  }
0x12: {  	s24 =	sor.u32 s10, s11;
	s31 =	sor.u32 s11, s26;
	s21 =	simm.s32 $0x2000  }
0x13: {  	s23 =	simm.s32 $0x4;
	s26 =	simm.s32 $0x1BB00;
	s14 =	sshrl.u32 s9, $0x3  }
0x14: {  	s9 =	sor.u32 s22, s11;
	s8 =	sshrl.u32 s24, $0x3;
	s25 =	sor.u32 s11, s17  }
0x15: {  	s16 =	smax.u32 s18, $0x1;
	s18 =	simm.s32 $0x400;
	s22 =	simm.s32 $0x1B700  }
0x16: {  	s24 =	simm.s32 $0x1CB00;
	s13 =	sadd.s32 s14, s6;
	s19 =	sshrl.u32 s9, $0x3  }
0x17: {  	s7 =	sadd.s32 s7, s8;
	s17 =	sshrl.u32 s25, $0x3;
	s10 =	sadd.s32 s12, s14  }
0x18: {  	s14 =	sadd.s32 s15, s14;
	s25 =	simm.s32 $0x1;
	s6 =	sadd.s32 s2, s19  }
0x19: {  	s8 =	sadd.s32 $0x9400, s13;
	s9 =	sadd.s32 s2, s17;
	s11 =	sadd.s32 s4, s19  }
0x1a: {  	s2 =	sshrl.u32 s31, $0x3;
	s13 =	sadd.s32 s4, s17;
	s17 =	simm.s32 $0x80  }
0x1b: {  	s19 =	simm.s32 $0x3000;
	s12 =	sadd.s32 s12, s2;
	s15 =	sadd.s32 s15, s2  }
.LBB2_1:
0x1c: {  	[tilespmem:s19], [sflag:$0x1] =	stream.strided.gather [hbm4b:s6+s17], $0x18700, s18, s17, $0x38;
	[tilespmem:$0x1DB00] =	vst v63  }
0x1d: {  	_ = 	snop  }
0x1e: {  	[tilespmem:s5], [sflag:$0x4] =	stream.linear.gather [hbm4b:s0+s5], $0x1000, $0x38;
	[tilespmem:$0x1DB00] =	vst v63  }
0x1f: {  	_ = 	snop  }
0x20: {  	[tilespmem:s20], [sflag:$0x4] =	stream.linear.gather [hbm4b:s1+s5], $0x1000, $0x38;
	[tilespmem:$0x1DB00] =	vst v63  }
0x21: {  	_ = 	snop  }
0x22: {  	[tilespmem:s21], [sflag:$0x4] =	stream.linear.gather [hbm4b:s3+s5], $0x1000, $0x38;
	[tilespmem:$0x1DB00] =	vst v63  }
0x23: {  	_ = 	snop  }
0x24: {  	[tilespmem:s22], [sflag:$0x4] =	stream.strided.gather [hbm4b:s7+s17], $0x400, s18, s17, $0x38;
	[tilespmem:$0x1DB00] =	vst v63  }
0x25: {  	_ =	swait.ge [sflag:s23], $0x1000  }
0x26: {  	[sflag:s23] =	ssyncset.done $0x0  }
0x27: {  	[sflag:s23] =	ssyncadd.s32 $0xFFFFF000  }
0x28: {  	_ =	swait.ge [sflag:s23], $0x1000  }
0x29: {  	[sflag:s23] =	ssyncset.done $0x0  }
0x2a: {  	[sflag:s23] =	ssyncadd.s32 $0xFFFFF000  }
0x2b: {  	_ =	swait.ge [sflag:s23], $0x1000  }
0x2c: {  	[sflag:s23] =	ssyncset.done $0x0  }
0x2d: {  	[sflag:s23] =	ssyncadd.s32 $0xFFFFF000  }
0x2e: {  	_ =	swait.ge [sflag:s23], $0x400  }
0x2f: {  	[sflag:s23] =	ssyncset.done $0x0  }
0x30: {  	s31 =	simm.s32 $0x0;
	[sflag:s23] =	ssyncadd.s32 $0xFFFFFC00  }
0x31: {  	v0 =	vld [tilespmem:s31+$0x2000];
	_ =	sdelay $0x5  }
0x32: {  	v1 =	vld [tilespmem:s31+$0x2010];
	_ =	sdelay $0x1  }
0x33: {  	v0 =	vld.idx.msk [tilespmem:v0+s22+$0x0], $0xffff;
	_ =	sdelay $0x4  }
0x34: {  	[tilespmem:s31+$0x1CB00] =	vst v0;
	v0 =	vld [tilespmem:s31+$0x2020]  }
0x35: {  	v1 =	vld.idx.msk [tilespmem:v1+s22+$0x0], $0xffff;
	_ =	sdelay $0x4  }
0x36: {  	[tilespmem:s31+$0x1CB10] =	vst v1;
	v1 =	vld [tilespmem:s31+$0x2030];
	_ =	sdelay $0x1  }
0x37: {  	v0 =	vld.idx.msk [tilespmem:v0+s22+$0x0], $0xffff;
	_ =	sdelay $0x4  }
0x38: {  	[tilespmem:s31+$0x1CB20] =	vst v0;
	v0 =	vld [tilespmem:s31+$0x2040]  }
0x39: {  	v1 =	vld.idx.msk [tilespmem:v1+s22+$0x0], $0xffff;
	_ =	sdelay $0x4  }
0x3a: {  	[tilespmem:s31+$0x1CB30] =	vst v1;
	v1 =	vld [tilespmem:s31+$0x2050];
	_ =	sdelay $0x1  }
0x3b: {  	v0 =	vld.idx.msk [tilespmem:v0+s22+$0x0], $0xffff;
	_ =	sdelay $0x4  }
0x3c: {  	v2 =	vld [tilespmem:s31+$0x2060];
	[tilespmem:s31+$0x1CB40] =	vst v0  }
0x3d: {  	v0 =	vld.idx.msk [tilespmem:v1+s22+$0x0], $0xffff;
	_ =	sdelay $0x4  }
0x3e: {  	[tilespmem:s31+$0x1CB50] =	vst v0;
	v0 =	vld [tilespmem:s31+$0x2070];
	_ =	sdelay $0x1  }
0x3f: {  	v1 =	vld.idx.msk [tilespmem:v2+s22+$0x0], $0xffff;
	_ =	sdelay $0x3  }
0x40: {  	s4 =	simm.s32 $0x80;
	s2 =	simm.s32 $0x400  }
.LBB2_2:
0x41: {  	p0 =	sne.s32 s2, $0x3E00;
	v2 =	vld [tilespmem:s4+$0x2000];
	[tilespmem:s31+$0x1CB60] =	vst v1  }
0x42: {  	v0 =	vld.idx.msk [tilespmem:v0+s22+$0x0], $0xffff;
	_ =	sdelay $0x5  }
0x43: {  	v1 =	vld [tilespmem:s4+$0x2010];
	[tilespmem:s31+$0x1CB70] =	vst v0;
	s31 =	smov.u32 s4  }
0x44: {  	v0 =	vld.idx.msk [tilespmem:v2+s22+$0x0], $0xffff;
	_ =	sdelay $0x5  }
0x45: {  	[tilespmem:s31+$0x1CB00] =	vst v0;
	v0 =	vld [tilespmem:s31+$0x2020]  }
0x46: {  	v1 =	vld.idx.msk [tilespmem:v1+s22+$0x0], $0xffff;
	_ =	sdelay $0x5  }
0x47: {  	[tilespmem:s31+$0x1CB10] =	vst v1;
	v1 =	vld [tilespmem:s31+$0x2030]  }
0x48: {  	v0 =	vld.idx.msk [tilespmem:v0+s22+$0x0], $0xffff;
	_ =	sdelay $0x5  }
0x49: {  	[tilespmem:s31+$0x1CB20] =	vst v0;
	v0 =	vld [tilespmem:s31+$0x2040]  }
0x4a: {  	v1 =	vld.idx.msk [tilespmem:v1+s22+$0x0], $0xffff;
	_ =	sdelay $0x5  }
0x4b: {  	[tilespmem:s31+$0x1CB30] =	vst v1;
	v1 =	vld [tilespmem:s31+$0x2050]  }
0x4c: {  	v0 =	vld.idx.msk [tilespmem:v0+s22+$0x0], $0xffff;
	_ =	sdelay $0x5  }
0x4d: {  	[tilespmem:s31+$0x1CB40] =	vst v0;
	v2 =	vld [tilespmem:s31+$0x2060]  }
0x4e: {  	v0 =	vld.idx.msk [tilespmem:v1+s22+$0x0], $0xffff;
	_ =	sdelay $0x5  }
0x4f: {  	[tilespmem:s31+$0x1CB50] =	vst v0;
	v0 =	vld [tilespmem:s31+$0x2070]  }
0x50: {  	v1 =	vld.idx.msk [tilespmem:v2+s22+$0x0], $0xffff  }
.Ltmp0:
0x51: {  	(pc) =	sbr.rel @p0 .LBB2_2-.Ltmp0, $2  }
0x52: {  	_ =	sdelay $0x2  }
0x53: {  	s4 =	sshra.s32 s2, $0x2;
	s2 =	sadd.s32 $0x200, s2  }
0x54: {  	_ =	sdelay $0x1  }
0x55: {  	v2 =	vld [tilespmem:s4+$0x2000]  }
0x56: {  	[tilespmem:s31+$0x1CB60] =	vst v1  }
0x57: {  	v0 =	vld.idx.msk [tilespmem:v0+s22+$0x0], $0xffff;
	_ =	sdelay $0x3  }
0x58: {  	v1 =	vld [tilespmem:s4+$0x2010]  }
0x59: {  	[tilespmem:s31+$0x1CB70] =	vst v0  }
0x5a: {  	v0 =	vld.idx.msk [tilespmem:v2+s22+$0x0], $0xffff;
	_ =	sdelay $0x4  }
0x5b: {  	[tilespmem:s4+$0x1CB00] =	vst v0;
	v0 =	vld [tilespmem:s4+$0x2020]  }
0x5c: {  	v1 =	vld.idx.msk [tilespmem:v1+s22+$0x0], $0xffff;
	_ =	sdelay $0x4  }
0x5d: {  	[tilespmem:s4+$0x1CB10] =	vst v1;
	v1 =	vld [tilespmem:s4+$0x2030];
	_ =	sdelay $0x1  }
0x5e: {  	v0 =	vld.idx.msk [tilespmem:v0+s22+$0x0], $0xffff;
	_ =	sdelay $0x4  }
0x5f: {  	[tilespmem:s4+$0x1CB20] =	vst v0;
	v0 =	vld [tilespmem:s4+$0x2040]  }
0x60: {  	v1 =	vld.idx.msk [tilespmem:v1+s22+$0x0], $0xffff;
	_ =	sdelay $0x4  }
0x61: {  	[tilespmem:s4+$0x1CB30] =	vst v1;
	v1 =	vld [tilespmem:s4+$0x2050];
	_ =	sdelay $0x1  }
0x62: {  	v0 =	vld.idx.msk [tilespmem:v0+s22+$0x0], $0xffff;
	_ =	sdelay $0x4  }
0x63: {  	[tilespmem:s4+$0x1CB40] =	vst v0;
	v0 =	vld [tilespmem:s4+$0x2060]  }
0x64: {  	v1 =	vld.idx.msk [tilespmem:v1+s22+$0x0], $0xffff;
	_ =	sdelay $0x4  }
0x65: {  	[tilespmem:s4+$0x1CB50] =	vst v1;
	v1 =	vld [tilespmem:s4+$0x2070];
	_ =	sdelay $0x1  }
0x66: {  	v0 =	vld.idx.msk [tilespmem:v0+s22+$0x0], $0xffff;
	_ =	sdelay $0x4  }
0x67: {  	[tilespmem:s4+$0x1CB60] =	vst v0  }
0x68: {  	v0 =	vld.idx.msk [tilespmem:v1+s22+$0x0], $0xffff;
	_ =	sdelay $0x4  }
0x69: {  	[tilespmem:s4+$0x1CB70] =	vst v0  }
0x6a: {  	[hbm4b:s8+s17] =	stream.strided.scatter [tilespmem:s24], [sflag:$0x3], $0x1000, s18, s17, $0x38;
	[tilespmem:$0x1DB00] =	vst v63  }
0x6b: {  	_ =	swait.ge [sflag:s25], $0x18700  }
0x6c: {  	[sflag:s25] =	ssyncset.done $0x0  }
0x6d: {  	s31 =	simm.s32 $0x0;
	[sflag:s25] =	ssyncadd.s32 $0xFFFE7900  }
0x6e: {  	v0 =	vld [tilespmem:s31+$0x0];
	_ =	sdelay $0x5  }
0x6f: {  	v1 =	vld [tilespmem:s31+$0x10];
	_ =	sdelay $0x1  }
0x70: {  	v0 =	vld.idx.msk [tilespmem:v0+s19+$0x0], $0xffff;
	_ =	sdelay $0x4  }
0x71: {  	[tilespmem:s31+$0x1BB00] =	vst v0;
	v0 =	vld [tilespmem:s31+$0x20]  }
0x72: {  	v1 =	vld.idx.msk [tilespmem:v1+s19+$0x0], $0xffff;
	_ =	sdelay $0x4  }
0x73: {  	[tilespmem:s31+$0x1BB10] =	vst v1;
	v1 =	vld [tilespmem:s31+$0x30];
	_ =	sdelay $0x1  }
0x74: {  	v0 =	vld.idx.msk [tilespmem:v0+s19+$0x0], $0xffff;
	_ =	sdelay $0x4  }
0x75: {  	[tilespmem:s31+$0x1BB20] =	vst v0;
	v0 =	vld [tilespmem:s31+$0x40]  }
0x76: {  	v1 =	vld.idx.msk [tilespmem:v1+s19+$0x0], $0xffff;
	_ =	sdelay $0x4  }
0x77: {  	[tilespmem:s31+$0x1BB30] =	vst v1;
	v1 =	vld [tilespmem:s31+$0x50];
	_ =	sdelay $0x1  }
0x78: {  	v0 =	vld.idx.msk [tilespmem:v0+s19+$0x0], $0xffff;
	_ =	sdelay $0x4  }
0x79: {  	v2 =	vld [tilespmem:s31+$0x60];
	[tilespmem:s31+$0x1BB40] =	vst v0  }
0x7a: {  	v0 =	vld.idx.msk [tilespmem:v1+s19+$0x0], $0xffff;
	_ =	sdelay $0x4  }
0x7b: {  	[tilespmem:s31+$0x1BB50] =	vst v0;
	v0 =	vld [tilespmem:s31+$0x70];
	_ =	sdelay $0x1  }
0x7c: {  	v1 =	vld.idx.msk [tilespmem:v2+s19+$0x0], $0xffff;
	_ =	sdelay $0x3  }
0x7d: {  	s2 =	simm.s32 $0x400;
	s4 =	simm.s32 $0x80  }
.LBB2_4:
0x7e: {  	p0 =	sne.s32 s2, $0x3E00;
	v2 =	vld [tilespmem:s4+$0x0];
	[tilespmem:s31+$0x1BB60] =	vst v1  }
0x7f: {  	v0 =	vld.idx.msk [tilespmem:v0+s19+$0x0], $0xffff;
	_ =	sdelay $0x5  }
0x80: {  	v1 =	vld [tilespmem:s4+$0x10];
	[tilespmem:s31+$0x1BB70] =	vst v0;
	s31 =	smov.u32 s4  }
0x81: {  	v0 =	vld.idx.msk [tilespmem:v2+s19+$0x0], $0xffff;
	_ =	sdelay $0x5  }
0x82: {  	[tilespmem:s31+$0x1BB00] =	vst v0;
	v0 =	vld [tilespmem:s31+$0x20]  }
0x83: {  	v1 =	vld.idx.msk [tilespmem:v1+s19+$0x0], $0xffff;
	_ =	sdelay $0x5  }
0x84: {  	[tilespmem:s31+$0x1BB10] =	vst v1;
	v1 =	vld [tilespmem:s31+$0x30]  }
0x85: {  	v0 =	vld.idx.msk [tilespmem:v0+s19+$0x0], $0xffff;
	_ =	sdelay $0x5  }
0x86: {  	[tilespmem:s31+$0x1BB20] =	vst v0;
	v0 =	vld [tilespmem:s31+$0x40]  }
0x87: {  	v1 =	vld.idx.msk [tilespmem:v1+s19+$0x0], $0xffff;
	_ =	sdelay $0x5  }
0x88: {  	[tilespmem:s31+$0x1BB30] =	vst v1;
	v1 =	vld [tilespmem:s31+$0x50]  }
0x89: {  	v0 =	vld.idx.msk [tilespmem:v0+s19+$0x0], $0xffff;
	_ =	sdelay $0x5  }
0x8a: {  	[tilespmem:s31+$0x1BB40] =	vst v0;
	v2 =	vld [tilespmem:s31+$0x60]  }
0x8b: {  	v0 =	vld.idx.msk [tilespmem:v1+s19+$0x0], $0xffff;
	_ =	sdelay $0x5  }
0x8c: {  	[tilespmem:s31+$0x1BB50] =	vst v0;
	v0 =	vld [tilespmem:s31+$0x70]  }
0x8d: {  	v1 =	vld.idx.msk [tilespmem:v2+s19+$0x0], $0xffff  }
.Ltmp1:
0x8e: {  	(pc) =	sbr.rel @p0 .LBB2_4-.Ltmp1, $2  }
0x8f: {  	_ =	sdelay $0x2  }
0x90: {  	s4 =	sshra.s32 s2, $0x2;
	s2 =	sadd.s32 $0x200, s2  }
0x91: {  	_ =	sdelay $0x1  }
0x92: {  	v2 =	vld [tilespmem:s4+$0x0]  }
0x93: {  	[tilespmem:s31+$0x1BB60] =	vst v1  }
0x94: {  	v0 =	vld.idx.msk [tilespmem:v0+s19+$0x0], $0xffff;
	_ =	sdelay $0x3  }
0x95: {  	v1 =	vld [tilespmem:s4+$0x10]  }
0x96: {  	[tilespmem:s31+$0x1BB70] =	vst v0  }
0x97: {  	v0 =	vld.idx.msk [tilespmem:v2+s19+$0x0], $0xffff;
	_ =	sdelay $0x4  }
0x98: {  	[tilespmem:s4+$0x1BB00] =	vst v0;
	v0 =	vld [tilespmem:s4+$0x20]  }
0x99: {  	v1 =	vld.idx.msk [tilespmem:v1+s19+$0x0], $0xffff;
	_ =	sdelay $0x4  }
0x9a: {  	[tilespmem:s4+$0x1BB10] =	vst v1;
	v1 =	vld [tilespmem:s4+$0x30];
	_ =	sdelay $0x1  }
0x9b: {  	v0 =	vld.idx.msk [tilespmem:v0+s19+$0x0], $0xffff;
	_ =	sdelay $0x4  }
0x9c: {  	[tilespmem:s4+$0x1BB20] =	vst v0;
	v0 =	vld [tilespmem:s4+$0x40]  }
0x9d: {  	v1 =	vld.idx.msk [tilespmem:v1+s19+$0x0], $0xffff;
	_ =	sdelay $0x4  }
0x9e: {  	[tilespmem:s4+$0x1BB30] =	vst v1;
	v1 =	vld [tilespmem:s4+$0x50];
	_ =	sdelay $0x1  }
0x9f: {  	v0 =	vld.idx.msk [tilespmem:v0+s19+$0x0], $0xffff;
	_ =	sdelay $0x4  }
0xa0: {  	[tilespmem:s4+$0x1BB40] =	vst v0;
	v0 =	vld [tilespmem:s4+$0x60]  }
0xa1: {  	v1 =	vld.idx.msk [tilespmem:v1+s19+$0x0], $0xffff;
	_ =	sdelay $0x4  }
0xa2: {  	[tilespmem:s4+$0x1BB50] =	vst v1;
	v1 =	vld [tilespmem:s4+$0x70];
	_ =	sdelay $0x1  }
0xa3: {  	v0 =	vld.idx.msk [tilespmem:v0+s19+$0x0], $0xffff;
	_ =	sdelay $0x4  }
0xa4: {  	[tilespmem:s4+$0x1BB60] =	vst v0  }
0xa5: {  	v0 =	vld.idx.msk [tilespmem:v1+s19+$0x0], $0xffff;
	_ =	sdelay $0x4  }
0xa6: {  	[tilespmem:s4+$0x1BB70] =	vst v0  }
0xa7: {  	[tilespmem:s19], [sflag:$0x1] =	stream.strided.gather [hbm4b:s9+s17], $0x18700, s18, s17, $0x38;
	[tilespmem:$0x1DB00] =	vst v63  }
0xa8: {  	_ = 	snop  }
0xa9: {  	[hbm4b:s10+s17] =	stream.strided.scatter [tilespmem:s26], [sflag:$0x2], $0x1000, s18, s17, $0x38;
	[tilespmem:$0x1DB00] =	vst v63  }
0xaa: {  	_ =	swait.ge [sflag:s25], $0x18700  }
0xab: {  	[sflag:s25] =	ssyncset.done $0x0  }
0xac: {  	[sflag:s25] =	ssyncadd.s32 $0xFFFE7900  }
0xad: {  	_ =	swait.ge [sflag:s28], $0x1000  }
0xae: {  	[sflag:s28] =	ssyncset.done $0x0  }
0xaf: {  	s31 =	simm.s32 $0x0;
	[sflag:s28] =	ssyncadd.s32 $0xFFFFF000  }
0xb0: {  	v0 =	vld [tilespmem:s31+$0x0];
	_ =	sdelay $0x5  }
0xb1: {  	v1 =	vld [tilespmem:s31+$0x10];
	_ =	sdelay $0x1  }
0xb2: {  	v0 =	vld.idx.msk [tilespmem:v0+s19+$0x0], $0xffff;
	_ =	sdelay $0x4  }
0xb3: {  	[tilespmem:s31+$0x1CB00] =	vst v0;
	v0 =	vld [tilespmem:s31+$0x20]  }
0xb4: {  	v1 =	vld.idx.msk [tilespmem:v1+s19+$0x0], $0xffff;
	_ =	sdelay $0x4  }
0xb5: {  	[tilespmem:s31+$0x1CB10] =	vst v1;
	v1 =	vld [tilespmem:s31+$0x30];
	_ =	sdelay $0x1  }
0xb6: {  	v0 =	vld.idx.msk [tilespmem:v0+s19+$0x0], $0xffff;
	_ =	sdelay $0x4  }
0xb7: {  	[tilespmem:s31+$0x1CB20] =	vst v0;
	v0 =	vld [tilespmem:s31+$0x40]  }
0xb8: {  	v1 =	vld.idx.msk [tilespmem:v1+s19+$0x0], $0xffff;
	_ =	sdelay $0x4  }
0xb9: {  	[tilespmem:s31+$0x1CB30] =	vst v1;
	v1 =	vld [tilespmem:s31+$0x50];
	_ =	sdelay $0x1  }
0xba: {  	v0 =	vld.idx.msk [tilespmem:v0+s19+$0x0], $0xffff;
	_ =	sdelay $0x4  }
0xbb: {  	v2 =	vld [tilespmem:s31+$0x60];
	[tilespmem:s31+$0x1CB40] =	vst v0  }
0xbc: {  	v0 =	vld.idx.msk [tilespmem:v1+s19+$0x0], $0xffff;
	_ =	sdelay $0x4  }
0xbd: {  	[tilespmem:s31+$0x1CB50] =	vst v0;
	v0 =	vld [tilespmem:s31+$0x70];
	_ =	sdelay $0x1  }
0xbe: {  	v1 =	vld.idx.msk [tilespmem:v2+s19+$0x0], $0xffff;
	_ =	sdelay $0x3  }
0xbf: {  	s2 =	simm.s32 $0x400;
	s4 =	simm.s32 $0x80  }
.LBB2_6:
0xc0: {  	p0 =	sne.s32 s2, $0x3E00;
	v2 =	vld [tilespmem:s4+$0x0];
	[tilespmem:s31+$0x1CB60] =	vst v1  }
0xc1: {  	v0 =	vld.idx.msk [tilespmem:v0+s19+$0x0], $0xffff;
	_ =	sdelay $0x5  }
0xc2: {  	v1 =	vld [tilespmem:s4+$0x10];
	[tilespmem:s31+$0x1CB70] =	vst v0;
	s31 =	smov.u32 s4  }
0xc3: {  	v0 =	vld.idx.msk [tilespmem:v2+s19+$0x0], $0xffff;
	_ =	sdelay $0x5  }
0xc4: {  	[tilespmem:s31+$0x1CB00] =	vst v0;
	v0 =	vld [tilespmem:s31+$0x20]  }
0xc5: {  	v1 =	vld.idx.msk [tilespmem:v1+s19+$0x0], $0xffff;
	_ =	sdelay $0x5  }
0xc6: {  	[tilespmem:s31+$0x1CB10] =	vst v1;
	v1 =	vld [tilespmem:s31+$0x30]  }
0xc7: {  	v0 =	vld.idx.msk [tilespmem:v0+s19+$0x0], $0xffff;
	_ =	sdelay $0x5  }
0xc8: {  	[tilespmem:s31+$0x1CB20] =	vst v0;
	v0 =	vld [tilespmem:s31+$0x40]  }
0xc9: {  	v1 =	vld.idx.msk [tilespmem:v1+s19+$0x0], $0xffff;
	_ =	sdelay $0x5  }
0xca: {  	[tilespmem:s31+$0x1CB30] =	vst v1;
	v1 =	vld [tilespmem:s31+$0x50]  }
0xcb: {  	v0 =	vld.idx.msk [tilespmem:v0+s19+$0x0], $0xffff;
	_ =	sdelay $0x5  }
0xcc: {  	[tilespmem:s31+$0x1CB40] =	vst v0;
	v2 =	vld [tilespmem:s31+$0x60]  }
0xcd: {  	v0 =	vld.idx.msk [tilespmem:v1+s19+$0x0], $0xffff;
	_ =	sdelay $0x5  }
0xce: {  	[tilespmem:s31+$0x1CB50] =	vst v0;
	v0 =	vld [tilespmem:s31+$0x70]  }
0xcf: {  	v1 =	vld.idx.msk [tilespmem:v2+s19+$0x0], $0xffff  }
.Ltmp2:
0xd0: {  	(pc) =	sbr.rel @p0 .LBB2_6-.Ltmp2, $2  }
0xd1: {  	_ =	sdelay $0x2  }
0xd2: {  	s4 =	sshra.s32 s2, $0x2;
	s2 =	sadd.s32 $0x200, s2  }
0xd3: {  	_ =	sdelay $0x1  }
0xd4: {  	v2 =	vld [tilespmem:s4+$0x0]  }
0xd5: {  	[tilespmem:s31+$0x1CB60] =	vst v1  }
0xd6: {  	v0 =	vld.idx.msk [tilespmem:v0+s19+$0x0], $0xffff;
	_ =	sdelay $0x3  }
0xd7: {  	v1 =	vld [tilespmem:s4+$0x10]  }
0xd8: {  	[tilespmem:s31+$0x1CB70] =	vst v0  }
0xd9: {  	v0 =	vld.idx.msk [tilespmem:v2+s19+$0x0], $0xffff;
	_ =	sdelay $0x4  }
0xda: {  	[tilespmem:s4+$0x1CB00] =	vst v0;
	v0 =	vld [tilespmem:s4+$0x20]  }
0xdb: {  	v1 =	vld.idx.msk [tilespmem:v1+s19+$0x0], $0xffff;
	_ =	sdelay $0x4  }
0xdc: {  	[tilespmem:s4+$0x1CB10] =	vst v1;
	v1 =	vld [tilespmem:s4+$0x30];
	_ =	sdelay $0x1  }
0xdd: {  	v0 =	vld.idx.msk [tilespmem:v0+s19+$0x0], $0xffff;
	_ =	sdelay $0x4  }
0xde: {  	[tilespmem:s4+$0x1CB20] =	vst v0;
	v0 =	vld [tilespmem:s4+$0x40]  }
0xdf: {  	v1 =	vld.idx.msk [tilespmem:v1+s19+$0x0], $0xffff;
	_ =	sdelay $0x4  }
0xe0: {  	[tilespmem:s4+$0x1CB30] =	vst v1;
	v1 =	vld [tilespmem:s4+$0x50];
	_ =	sdelay $0x1  }
0xe1: {  	v0 =	vld.idx.msk [tilespmem:v0+s19+$0x0], $0xffff;
	_ =	sdelay $0x4  }
0xe2: {  	[tilespmem:s4+$0x1CB40] =	vst v0;
	v0 =	vld [tilespmem:s4+$0x60]  }
0xe3: {  	v1 =	vld.idx.msk [tilespmem:v1+s19+$0x0], $0xffff;
	_ =	sdelay $0x4  }
0xe4: {  	[tilespmem:s4+$0x1CB50] =	vst v1;
	v1 =	vld [tilespmem:s4+$0x70];
	_ =	sdelay $0x1  }
0xe5: {  	v0 =	vld.idx.msk [tilespmem:v0+s19+$0x0], $0xffff;
	_ =	sdelay $0x4  }
0xe6: {  	[tilespmem:s4+$0x1CB60] =	vst v0  }
0xe7: {  	v0 =	vld.idx.msk [tilespmem:v1+s19+$0x0], $0xffff;
	_ =	sdelay $0x4  }
0xe8: {  	[tilespmem:s4+$0x1CB70] =	vst v0  }
0xe9: {  	[tilespmem:s19], [sflag:$0x1] =	stream.strided.gather [hbm4b:s11+s17], $0x18700, s18, s17, $0x38;
	[tilespmem:$0x1DB00] =	vst v63  }
0xea: {  	_ = 	snop  }
0xeb: {  	[hbm4b:s12+s17] =	stream.strided.scatter [tilespmem:s24], [sflag:$0x3], $0x1000, s18, s17, $0x38;
	[tilespmem:$0x1DB00] =	vst v63  }
0xec: {  	_ =	swait.ge [sflag:s25], $0x18700  }
0xed: {  	[sflag:s25] =	ssyncset.done $0x0  }
0xee: {  	[sflag:s25] =	ssyncadd.s32 $0xFFFE7900  }
0xef: {  	_ =	swait.ge [sflag:s29], $0x1000  }
0xf0: {  	[sflag:s29] =	ssyncset.done $0x0  }
0xf1: {  	s31 =	simm.s32 $0x0;
	[sflag:s29] =	ssyncadd.s32 $0xFFFFF000  }
0xf2: {  	v0 =	vld [tilespmem:s31+$0x1000];
	_ =	sdelay $0x5  }
0xf3: {  	v1 =	vld [tilespmem:s31+$0x1010];
	_ =	sdelay $0x1  }
0xf4: {  	v0 =	vld.idx.msk [tilespmem:v0+s19+$0x0], $0xffff;
	_ =	sdelay $0x4  }
0xf5: {  	[tilespmem:s31+$0x1BB00] =	vst v0;
	v0 =	vld [tilespmem:s31+$0x1020]  }
0xf6: {  	v1 =	vld.idx.msk [tilespmem:v1+s19+$0x0], $0xffff;
	_ =	sdelay $0x4  }
0xf7: {  	[tilespmem:s31+$0x1BB10] =	vst v1;
	v1 =	vld [tilespmem:s31+$0x1030];
	_ =	sdelay $0x1  }
0xf8: {  	v0 =	vld.idx.msk [tilespmem:v0+s19+$0x0], $0xffff;
	_ =	sdelay $0x4  }
0xf9: {  	[tilespmem:s31+$0x1BB20] =	vst v0;
	v0 =	vld [tilespmem:s31+$0x1040]  }
0xfa: {  	v1 =	vld.idx.msk [tilespmem:v1+s19+$0x0], $0xffff;
	_ =	sdelay $0x4  }
0xfb: {  	[tilespmem:s31+$0x1BB30] =	vst v1;
	v1 =	vld [tilespmem:s31+$0x1050];
	_ =	sdelay $0x1  }
0xfc: {  	v0 =	vld.idx.msk [tilespmem:v0+s19+$0x0], $0xffff;
	_ =	sdelay $0x4  }
0xfd: {  	v2 =	vld [tilespmem:s31+$0x1060];
	[tilespmem:s31+$0x1BB40] =	vst v0  }
0xfe: {  	v0 =	vld.idx.msk [tilespmem:v1+s19+$0x0], $0xffff;
	_ =	sdelay $0x4  }
0xff: {  	[tilespmem:s31+$0x1BB50] =	vst v0;
	v0 =	vld [tilespmem:s31+$0x1070];
	_ =	sdelay $0x1  }
0x100: {  	v1 =	vld.idx.msk [tilespmem:v2+s19+$0x0], $0xffff;
	_ =	sdelay $0x3  }
0x101: {  	s2 =	simm.s32 $0x400;
	s4 =	simm.s32 $0x80  }
.LBB2_8:
0x102: {  	p0 =	sne.s32 s2, $0x3E00;
	v2 =	vld [tilespmem:s4+$0x1000];
	[tilespmem:s31+$0x1BB60] =	vst v1  }
0x103: {  	v0 =	vld.idx.msk [tilespmem:v0+s19+$0x0], $0xffff;
	_ =	sdelay $0x5  }
0x104: {  	v1 =	vld [tilespmem:s4+$0x1010];
	[tilespmem:s31+$0x1BB70] =	vst v0;
	s31 =	smov.u32 s4  }
0x105: {  	v0 =	vld.idx.msk [tilespmem:v2+s19+$0x0], $0xffff;
	_ =	sdelay $0x5  }
0x106: {  	[tilespmem:s31+$0x1BB00] =	vst v0;
	v0 =	vld [tilespmem:s31+$0x1020]  }
0x107: {  	v1 =	vld.idx.msk [tilespmem:v1+s19+$0x0], $0xffff;
	_ =	sdelay $0x5  }
0x108: {  	[tilespmem:s31+$0x1BB10] =	vst v1;
	v1 =	vld [tilespmem:s31+$0x1030]  }
0x109: {  	v0 =	vld.idx.msk [tilespmem:v0+s19+$0x0], $0xffff;
	_ =	sdelay $0x5  }
0x10a: {  	[tilespmem:s31+$0x1BB20] =	vst v0;
	v0 =	vld [tilespmem:s31+$0x1040]  }
0x10b: {  	v1 =	vld.idx.msk [tilespmem:v1+s19+$0x0], $0xffff;
	_ =	sdelay $0x5  }
0x10c: {  	[tilespmem:s31+$0x1BB30] =	vst v1;
	v1 =	vld [tilespmem:s31+$0x1050]  }
0x10d: {  	v0 =	vld.idx.msk [tilespmem:v0+s19+$0x0], $0xffff;
	_ =	sdelay $0x5  }
0x10e: {  	[tilespmem:s31+$0x1BB40] =	vst v0;
	v2 =	vld [tilespmem:s31+$0x1060]  }
0x10f: {  	v0 =	vld.idx.msk [tilespmem:v1+s19+$0x0], $0xffff;
	_ =	sdelay $0x5  }
0x110: {  	[tilespmem:s31+$0x1BB50] =	vst v0;
	v0 =	vld [tilespmem:s31+$0x1070]  }
0x111: {  	v1 =	vld.idx.msk [tilespmem:v2+s19+$0x0], $0xffff  }
.Ltmp3:
0x112: {  	(pc) =	sbr.rel @p0 .LBB2_8-.Ltmp3, $2  }
0x113: {  	_ =	sdelay $0x2  }
0x114: {  	s4 =	sshra.s32 s2, $0x2;
	s2 =	sadd.s32 $0x200, s2  }
0x115: {  	_ =	sdelay $0x1  }
0x116: {  	v2 =	vld [tilespmem:s4+$0x1000]  }
0x117: {  	[tilespmem:s31+$0x1BB60] =	vst v1  }
0x118: {  	v0 =	vld.idx.msk [tilespmem:v0+s19+$0x0], $0xffff;
	_ =	sdelay $0x3  }
0x119: {  	v1 =	vld [tilespmem:s4+$0x1010]  }
0x11a: {  	[tilespmem:s31+$0x1BB70] =	vst v0  }
0x11b: {  	v0 =	vld.idx.msk [tilespmem:v2+s19+$0x0], $0xffff;
	_ =	sdelay $0x4  }
0x11c: {  	[tilespmem:s4+$0x1BB00] =	vst v0;
	v0 =	vld [tilespmem:s4+$0x1020]  }
0x11d: {  	v1 =	vld.idx.msk [tilespmem:v1+s19+$0x0], $0xffff;
	_ =	sdelay $0x4  }
0x11e: {  	[tilespmem:s4+$0x1BB10] =	vst v1;
	v1 =	vld [tilespmem:s4+$0x1030];
	_ =	sdelay $0x1  }
0x11f: {  	v0 =	vld.idx.msk [tilespmem:v0+s19+$0x0], $0xffff;
	_ =	sdelay $0x4  }
0x120: {  	[tilespmem:s4+$0x1BB20] =	vst v0;
	v0 =	vld [tilespmem:s4+$0x1040]  }
0x121: {  	v1 =	vld.idx.msk [tilespmem:v1+s19+$0x0], $0xffff;
	_ =	sdelay $0x4  }
0x122: {  	[tilespmem:s4+$0x1BB30] =	vst v1;
	v1 =	vld [tilespmem:s4+$0x1050];
	_ =	sdelay $0x1  }
0x123: {  	v0 =	vld.idx.msk [tilespmem:v0+s19+$0x0], $0xffff;
	_ =	sdelay $0x4  }
0x124: {  	[tilespmem:s4+$0x1BB40] =	vst v0;
	v0 =	vld [tilespmem:s4+$0x1060]  }
0x125: {  	v1 =	vld.idx.msk [tilespmem:v1+s19+$0x0], $0xffff;
	_ =	sdelay $0x4  }
0x126: {  	[tilespmem:s4+$0x1BB50] =	vst v1;
	v1 =	vld [tilespmem:s4+$0x1070];
	_ =	sdelay $0x1  }
0x127: {  	v0 =	vld.idx.msk [tilespmem:v0+s19+$0x0], $0xffff;
	_ =	sdelay $0x4  }
0x128: {  	[tilespmem:s4+$0x1BB60] =	vst v0  }
0x129: {  	v0 =	vld.idx.msk [tilespmem:v1+s19+$0x0], $0xffff;
	_ =	sdelay $0x4  }
0x12a: {  	[tilespmem:s4+$0x1BB70] =	vst v0  }
0x12b: {  	[tilespmem:s19], [sflag:$0x1] =	stream.strided.gather [hbm4b:s13+s17], $0x18700, s18, s17, $0x38;
	[tilespmem:$0x1DB00] =	vst v63  }
0x12c: {  	_ = 	snop  }
0x12d: {  	[hbm4b:s14+s17] =	stream.strided.scatter [tilespmem:s26], [sflag:$0x2], $0x1000, s18, s17, $0x38;
	[tilespmem:$0x1DB00] =	vst v63  }
0x12e: {  	_ =	swait.ge [sflag:s25], $0x18700  }
0x12f: {  	[sflag:s25] =	ssyncset.done $0x0  }
0x130: {  	[sflag:s25] =	ssyncadd.s32 $0xFFFE7900  }
0x131: {  	_ =	swait.ge [sflag:s28], $0x1000  }
0x132: {  	[sflag:s28] =	ssyncset.done $0x0  }
0x133: {  	s31 =	simm.s32 $0x0;
	[sflag:s28] =	ssyncadd.s32 $0xFFFFF000  }
0x134: {  	v0 =	vld [tilespmem:s31+$0x1000];
	_ =	sdelay $0x5  }
0x135: {  	v1 =	vld [tilespmem:s31+$0x1010];
	_ =	sdelay $0x1  }
0x136: {  	v0 =	vld.idx.msk [tilespmem:v0+s19+$0x0], $0xffff;
	_ =	sdelay $0x4  }
0x137: {  	[tilespmem:s31+$0x1CB00] =	vst v0;
	v0 =	vld [tilespmem:s31+$0x1020]  }
0x138: {  	v1 =	vld.idx.msk [tilespmem:v1+s19+$0x0], $0xffff;
	_ =	sdelay $0x4  }
0x139: {  	[tilespmem:s31+$0x1CB10] =	vst v1;
	v1 =	vld [tilespmem:s31+$0x1030];
	_ =	sdelay $0x1  }
0x13a: {  	v0 =	vld.idx.msk [tilespmem:v0+s19+$0x0], $0xffff;
	_ =	sdelay $0x4  }
0x13b: {  	[tilespmem:s31+$0x1CB20] =	vst v0;
	v0 =	vld [tilespmem:s31+$0x1040]  }
0x13c: {  	v1 =	vld.idx.msk [tilespmem:v1+s19+$0x0], $0xffff;
	_ =	sdelay $0x4  }
0x13d: {  	[tilespmem:s31+$0x1CB30] =	vst v1;
	v1 =	vld [tilespmem:s31+$0x1050];
	_ =	sdelay $0x1  }
0x13e: {  	v0 =	vld.idx.msk [tilespmem:v0+s19+$0x0], $0xffff;
	_ =	sdelay $0x4  }
0x13f: {  	v2 =	vld [tilespmem:s31+$0x1060];
	[tilespmem:s31+$0x1CB40] =	vst v0  }
0x140: {  	v0 =	vld.idx.msk [tilespmem:v1+s19+$0x0], $0xffff;
	_ =	sdelay $0x4  }
0x141: {  	[tilespmem:s31+$0x1CB50] =	vst v0;
	v0 =	vld [tilespmem:s31+$0x1070];
	_ =	sdelay $0x1  }
0x142: {  	v1 =	vld.idx.msk [tilespmem:v2+s19+$0x0], $0xffff;
	_ =	sdelay $0x3  }
0x143: {  	s2 =	simm.s32 $0x400;
	s4 =	simm.s32 $0x80  }
.LBB2_10:
0x144: {  	p0 =	sne.s32 s2, $0x3E00;
	v2 =	vld [tilespmem:s4+$0x1000];
	[tilespmem:s31+$0x1CB60] =	vst v1  }
0x145: {  	v0 =	vld.idx.msk [tilespmem:v0+s19+$0x0], $0xffff;
	_ =	sdelay $0x5  }
0x146: {  	v1 =	vld [tilespmem:s4+$0x1010];
	[tilespmem:s31+$0x1CB70] =	vst v0;
	s31 =	smov.u32 s4  }
0x147: {  	v0 =	vld.idx.msk [tilespmem:v2+s19+$0x0], $0xffff;
	_ =	sdelay $0x5  }
0x148: {  	[tilespmem:s31+$0x1CB00] =	vst v0;
	v0 =	vld [tilespmem:s31+$0x1020]  }
0x149: {  	v1 =	vld.idx.msk [tilespmem:v1+s19+$0x0], $0xffff;
	_ =	sdelay $0x5  }
0x14a: {  	[tilespmem:s31+$0x1CB10] =	vst v1;
	v1 =	vld [tilespmem:s31+$0x1030]  }
0x14b: {  	v0 =	vld.idx.msk [tilespmem:v0+s19+$0x0], $0xffff;
	_ =	sdelay $0x5  }
0x14c: {  	[tilespmem:s31+$0x1CB20] =	vst v0;
	v0 =	vld [tilespmem:s31+$0x1040]  }
0x14d: {  	v1 =	vld.idx.msk [tilespmem:v1+s19+$0x0], $0xffff;
	_ =	sdelay $0x5  }
0x14e: {  	[tilespmem:s31+$0x1CB30] =	vst v1;
	v1 =	vld [tilespmem:s31+$0x1050]  }
0x14f: {  	v0 =	vld.idx.msk [tilespmem:v0+s19+$0x0], $0xffff;
	_ =	sdelay $0x5  }
0x150: {  	[tilespmem:s31+$0x1CB40] =	vst v0;
	v2 =	vld [tilespmem:s31+$0x1060]  }
0x151: {  	v0 =	vld.idx.msk [tilespmem:v1+s19+$0x0], $0xffff;
	_ =	sdelay $0x5  }
0x152: {  	[tilespmem:s31+$0x1CB50] =	vst v0;
	v0 =	vld [tilespmem:s31+$0x1070]  }
0x153: {  	v1 =	vld.idx.msk [tilespmem:v2+s19+$0x0], $0xffff  }
.Ltmp4:
0x154: {  	(pc) =	sbr.rel @p0 .LBB2_10-.Ltmp4, $2  }
0x155: {  	_ =	sdelay $0x2  }
0x156: {  	s4 =	sshra.s32 s2, $0x2;
	s2 =	sadd.s32 $0x200, s2  }
0x157: {  	_ =	sdelay $0x1  }
0x158: {  	v2 =	vld [tilespmem:s4+$0x1000]  }
0x159: {  	[tilespmem:s31+$0x1CB60] =	vst v1  }
0x15a: {  	v0 =	vld.idx.msk [tilespmem:v0+s19+$0x0], $0xffff;
	_ =	sdelay $0x3  }
0x15b: {  	v1 =	vld [tilespmem:s4+$0x1010]  }
0x15c: {  	[tilespmem:s31+$0x1CB70] =	vst v0  }
0x15d: {  	v0 =	vld.idx.msk [tilespmem:v2+s19+$0x0], $0xffff;
	_ =	sdelay $0x3  }
0x15e: {  	v58 =	vld [tilespmem:s4+$0x1020]  }
0x15f: {  	[tilespmem:s4+$0x1CB00] =	vst v0  }
0x160: {  	v1 =	vld.idx.msk [tilespmem:v1+s19+$0x0], $0xffff;
	_ =	sdelay $0x3  }
0x161: {  	v59 =	vld [tilespmem:s4+$0x1030]  }
0x162: {  	[tilespmem:s4+$0x1CB10] =	vst v1  }
0x163: {  	v0 =	vld.idx.msk [tilespmem:v58+s19+$0x0], $0xffff;
	_ =	sdelay $0x3  }
0x164: {  	v60 =	vld [tilespmem:s4+$0x1040]  }
0x165: {  	[tilespmem:s4+$0x1CB20] =	vst v0  }
0x166: {  	v1 =	vld.idx.msk [tilespmem:v59+s19+$0x0], $0xffff;
	_ =	sdelay $0x3  }
0x167: {  	v61 =	vld [tilespmem:s4+$0x1050]  }
0x168: {  	[tilespmem:s4+$0x1CB30] =	vst v1  }
0x169: {  	v0 =	vld.idx.msk [tilespmem:v60+s19+$0x0], $0xffff;
	_ =	sdelay $0x3  }
0x16a: {  	v62 =	vld [tilespmem:s4+$0x1060]  }
0x16b: {  	[tilespmem:s4+$0x1CB40] =	vst v0  }
0x16c: {  	v1 =	vld.idx.msk [tilespmem:v61+s19+$0x0], $0xffff;
	_ =	sdelay $0x3  }
0x16d: {  	v63 =	vld [tilespmem:s4+$0x1070]  }
0x16e: {  	[tilespmem:s4+$0x1CB50] =	vst v1  }
0x16f: {  	v0 =	vld.idx.msk [tilespmem:v62+s19+$0x0], $0xffff;
	_ =	sdelay $0x4  }
0x170: {  	[tilespmem:s4+$0x1CB60] =	vst v0  }
0x171: {  	v0 =	vld.idx.msk [tilespmem:v63+s19+$0x0], $0xffff;
	_ =	sdelay $0x4  }
0x172: {  	s30 =	sadd.s32 $0x1, s30;
	[tilespmem:s4+$0x1CB70] =	vst v0  }
0x173: {  	[hbm4b:s15+s17] =	stream.strided.scatter [tilespmem:s24], [sflag:$0x3], $0x1000, s18, s17, $0x38;
	[tilespmem:$0x1DB00] =	vst v63  }
0x174: {  	p0 =	sne.s32 s30, s16;
	_ =	swait.ge [sflag:s29], $0x1000  }
.Ltmp5:
0x175: {  	[sflag:s29] =	ssyncset.done $0x0;
	(pc) =	sbr.rel @p0 .LBB2_1-.Ltmp5, $4  }
0x176: {  	[sflag:s29] =	ssyncadd.s32 $0xFFFFF000  }
0x177: {  	_ =	swait.ge [sflag:s28], $0x1000  }
0x178: {  	[sflag:s28] =	ssyncset.done $0x0  }
0x179: {  	[sflag:s28] =	ssyncadd.s32 $0xFFFFF000  }
0x17a: {  	_ =	sfence.sel $0x180000  }
0x17b: {  	[bflag:$0x0] =	sbarrier.arrive $0xFFFF  }
0x17c: {  	_ =	strace $0x90000047  }
0x17d: {  	s0 =	stileid.u32;
	[bflag:$0x2] =	sbarrier.arrive $0xFFFF  }
0x17e: {  	p0 =	sne.s32 s0, $0x0;
	s0 =	rddreg [dreg:$0x8]  }
0x17f: {  	s0 =	sadd.s32 @!p0 $0x100000, s0  }
0x180: {  	[sflag:s0] =	ssyncadd.tile.s32 @!p0 $0x1;
	_ =	shalt  }
.Lfunc_end2:
_tile_overlayer_lowered:
.L_overlay_start_2:
0x181: {  	(tag) =	ssettag $0x2  }
0x182: {  	s0 =	rddreg [dreg:$0x0];
	s2 =	stileid.u32  }
0x183: {  	s1 =	rddreg [dreg:$0x1];
	p0 =	sne.s32 s2, $0x0  }
0x184: {  	s3 =	rddreg [dreg:$0x2];
	[bflag:$0x3] =	sbarrier.arrive $0xFFFF;
	s2 =	simm.s32 @!p0 $0x1C05  }
0x185: {  	[timem:s3], [sflag:s2] =	dma.local @!p0 [hbm:s0], s1  }
0x186: {  	s0 =	simm.s32 @!p0 $0x5  }
0x187: {  	_ =	swait.ge @!p0 [sflag:s0], s1  }
0x188: {  	s1 =	ssub.s32 @!p0 $0x0, s1;
	[sflag:s0] =	ssyncset.done @!p0 $0x0  }
0x189: {  	[sflag:s0] =	ssyncadd.s32 @!p0 s1  }
0x18a: {  	[bflag:$0x3] =	sbarrier.arrive $0xFFFF  }
0x18b: {  	_ =	shalt  }

</sc_bundles>
